<compile_context>
chip_gen: v7x
topology: tpu7x:2x2x1
jax: 0.10.2.dev20260603
libtpu: 0.0.44.dev20260713+nightly
codegen_flags: <defaults>
</compile_context>

<pallas_src>
import functools

import jax
import jax.numpy as jnp
from jax import lax
from jax.experimental import pallas as pl
from jax.experimental.pallas import tpu as pltpu
from jax.experimental.pallas import tpu_sc as plsc

C = 512
H = 32
E = 32
B = 64
T = 20
P = 4
CP = C // P
R = B * CP
TB = T * B
BN_EPS = 1e-5
NW = 32
PW = TB // NW


@functools.cache
def _sc_gather_build():
    mesh = plsc.VectorSubcoreMesh(core_axis_name="c", subcore_axis_name="s")

    @functools.partial(
        pl.kernel,
        mesh=mesh,
        out_type=[
            jax.ShapeDtypeStruct((TB, C), jnp.float32),
            jax.ShapeDtypeStruct((TB, C), jnp.float32),
            jax.ShapeDtypeStruct((TB, 128), jnp.float32),
        ],
        scratch_types=[
            pltpu.VMEM((PW,), jnp.int32),
            pltpu.VMEM((PW, C), jnp.float32),
            pltpu.VMEM((PW, C), jnp.float32),
            pltpu.VMEM((PW, 128), jnp.float32),
            pltpu.SemaphoreType.DMA,
        ],
    )
    def sc_gather(qflat, fflat, graph, graph_t, embx,
                  adj_out, radj_out, r_out,
                  idx_v, adj_v, radj_v, r_v, sem):
        wid = lax.axis_index("s") * 2 + lax.axis_index("c")
        base = wid * PW
        pltpu.sync_copy(qflat.at[pl.ds(base, PW)], idx_v)
        pltpu.async_copy(graph.at[idx_v], adj_v, sem).wait()
        pltpu.sync_copy(adj_v, adj_out.at[pl.ds(base, PW)])
        pltpu.async_copy(graph_t.at[idx_v], radj_v, sem).wait()
        pltpu.sync_copy(radj_v, radj_out.at[pl.ds(base, PW)])
        pltpu.sync_copy(fflat.at[pl.ds(base, PW)], idx_v)
        pltpu.async_copy(embx.at[idx_v], r_v, sem).wait()
        pltpu.sync_copy(r_v, r_out.at[pl.ds(base, PW)])

    return sc_gather


def _bdp(w, rblk, oblk):
    G = w.shape[1] // oblk
    e4 = jnp.eye(4, dtype=w.dtype)
    w3 = w.reshape(rblk, G, oblk)
    return jnp.einsum("jk,rgo->jrgko", e4, w3).reshape(
        4 * rblk, 4 * oblk * G)


def _btile(b, oblk):
    G = b.shape[0] // oblk
    return jnp.broadcast_to(
        b.reshape(G, 1, oblk), (G, 4, oblk)).reshape(1, -1)


def _tc_step(ar_ref, r_ref, q_ref, qn_ref,
             cep_ref, n0w1_ref, n1w1_ref, n0w2_ref, n1w2_ref,
             fsw1_ref, fsw2_ref, erw_ref, adw_ref, wih_ref, whh_ref,
             eaw4_ref, predw_ref, bias_ref, ex_ref,
             out_ref,
             ht_scr, cc_scr, bdwcc_s, bdwhc_s, w2p_s, weap_s,
             bdrz_s, bdin_s, bdhn_s, ws1t4_s, wsct4_s, wscb_s,
             predwp_s, eawp_s):
    f32 = jnp.float32
    bf16 = jnp.bfloat16
    i = pl.program_id(0)

    @pl.when(i == 0)
    def _init():
        ht_scr[...] = jnp.zeros_like(ht_scr)
        for s in (bdwcc_s, bdwhc_s, w2p_s, weap_s, bdrz_s, bdin_s, bdhn_s):
            s[...] = jnp.zeros_like(s)
        for j in range(4):
            r0, r1 = j * 32, (j + 1) * 32
            c0 = j * 64
            bdwcc_s[r0:r1, c0:c0 + 32] = n0w1_ref[96:128, :]
            bdwcc_s[r0:r1, c0 + 32:c0 + 64] = n1w1_ref[96:128, :]
            bdwhc_s[r0:r1, c0:c0 + 32] = n0w1_ref[64:96, :].astype(bf16)
            bdwhc_s[r0:r1, c0 + 32:c0 + 64] = n1w1_ref[64:96, :].astype(bf16)
            w2p_s[c0:c0 + 32, r0:r1] = n0w2_ref[...].astype(bf16)
            w2p_s[c0 + 32:c0 + 64, 128 + r0:128 + r1] = (
                n1w2_ref[...].astype(bf16))
            weap_s[r0:r1, r0:r1] = erw_ref[...].astype(bf16)
            weap_s[r0:r1, 128 + r0:128 + r1] = adw_ref[...].astype(bf16)
            bdrz_s[r0:r1, r0:r1] = wih_ref[:, 0:32].astype(bf16)
            bdrz_s[r0:r1, 128 + r0:128 + r1] = wih_ref[:, 32:64].astype(bf16)
            bdrz_s[128 + r0:128 + r1, r0:r1] = whh_ref[:, 0:32].astype(bf16)
            bdrz_s[128 + r0:128 + r1, 128 + r0:128 + r1] = (
                whh_ref[:, 32:64].astype(bf16))
            bdin_s[r0:r1, r0:r1] = wih_ref[:, 64:96].astype(bf16)
            bdhn_s[r0:r1, r0:r1] = whh_ref[:, 64:96].astype(bf16)
            ws1t4_s[r0:r1, :] = fsw1_ref[0:32, :]
            wsct4_s[r0:r1, 0:32] = n0w1_ref[0:32, :]
            wsct4_s[r0:r1, 32:64] = n1w1_ref[0:32, :]
            predwp_s[r0:r1, :] = predw_ref[...]
        wscb_s[:, 0:32] = n0w1_ref[32:64, :]
        wscb_s[:, 32:64] = n1w1_ref[32:64, :]
        eawp_s[...] = jnp.dot(eaw4_ref[...], ex_ref[0:4, 0:128],
                              preferred_element_type=f32)
        cc_scr[...] = (
            jnp.dot(cep_ref[...], bdwcc_s[...], preferred_element_type=f32)
            + bias_ref[:, 0:256]
        )
    htp3 = ht_scr[...]
    htp = htp3.reshape(R, 128)
    htp_b = htp.astype(bf16)
    q = q_ref[0]
    lane = lax.broadcasted_iota(jnp.int32, (CP, 128), 1)
    sub = lax.broadcasted_iota(jnp.int32, (CP, 128), 0)
    ci = sub * 4 + lane // 32
    maskb3 = ci[None] == q[:, :, None]
    mask3 = maskb3.astype(f32)

    sel128 = jnp.sum(htp3 * mask3, axis=1)
    r_emb = r_ref[0][:, :E]

    hs = jax.nn.relu(
        jnp.dot(sel128, ws1t4_s[...], preferred_element_type=f32)
        + jnp.dot(r_emb, fsw1_ref[32:64, :], preferred_element_type=f32)
        + bias_ref[:, 1792:1824])
    os_ = jax.nn.relu(jnp.dot(hs, fsw2_ref[...],
                              preferred_element_type=f32)
                      + bias_ref[:, 1824:1856])
    s_self = (os_ * bias_ref[:, 1856:1888]
              + bias_ref[:, 1888:1920])

    s0 = (jnp.dot(sel128, wsct4_s[...], preferred_element_type=f32)
          + jnp.dot(r_emb, wscb_s[...], preferred_element_type=f32))
    x1 = jnp.dot(htp_b, bdwhc_s[...], preferred_element_type=f32)
    a3 = (x1.reshape(B, CP, 256) + cc_scr[...][None]
          + jnp.tile(s0, (1, 4))[:, None, :])
    h01 = jax.nn.relu(a3).reshape(R, 256).astype(bf16)
    o01 = jax.nn.relu(jnp.dot(h01, w2p_s[...],
                              preferred_element_type=f32)
                      + bias_ref[:, 256:512])
    o01 = o01 * bias_ref[:, 512:768] + bias_ref[:, 768:1024]

    arx = jnp.dot(ar_ref[0], ex_ref[...],
                  preferred_element_type=f32)
    neigh3 = (arx[:, :128] * o01[:, :128]
              + arx[:, 128:] * o01[:, 128:]).reshape(B, CP, 128)
    m3 = jnp.where(maskb3, jnp.tile(s_self, (1, 4))[:, None, :], neigh3)
    m = m3.reshape(R, 128)

    z = jnp.dot(m.astype(bf16), weap_s[...],
                preferred_element_type=f32) + bias_ref[:, 1024:1280]
    egp = jax.nn.sigmoid(z[:, :128]).reshape(B, CP, 128)
    adp = jnp.tanh(z[:, 128:]).reshape(B, CP, 128)
    eaw3 = eawp_s[...][None]
    m23 = m3 - eaw3 * egp * m3 + eaw3 * adp
    m2 = m23.reshape(R, 128)

    m2b = m2.astype(bf16)
    m2h = jnp.concatenate([m2b, htp_b], axis=1)
    grz = jnp.dot(m2h, bdrz_s[...],
                  preferred_element_type=f32) + bias_ref[:, 1280:1536]
    rg = jax.nn.sigmoid(grz[:, :128])
    zg = jax.nn.sigmoid(grz[:, 128:])
    i_n = jnp.dot(m2b, bdin_s[...],
                  preferred_element_type=f32) + bias_ref[:, 1536:1664]
    h_n = jnp.dot(htp_b, bdhn_s[...],
                  preferred_element_type=f32) + bias_ref[:, 1664:1792]
    n = jnp.tanh(i_n + rg * h_n)
    htn = (1.0 - zg) * n + zg * htp
    ht_scr[...] = htn.reshape(B, CP, 128)

    qn = qn_ref[0]
    maskn3 = (ci[None] == qn[:, :, None]).astype(f32)
    hn128 = jnp.sum(htn.reshape(B, CP, 128) * maskn3, axis=1)
    p = jax.nn.sigmoid(jnp.dot(hn128, predwp_s[...],
                               preferred_element_type=f32)
                       + bias_ref[:, 1920:1921])
    out_ref[0] = p


def _const2(shape):
    return pl.BlockSpec(shape, lambda i: (0, 0))


def _tc_specs():
    in_specs = [
        pl.BlockSpec((1, R, 8), lambda i: (i, 0, 0)),
        pl.BlockSpec((1, B, 128), lambda i: (i, 0, 0)),
        pl.BlockSpec((1, B, 1), lambda i: (i, 0, 0)),
        pl.BlockSpec((1, B, 1), lambda i: (i, 0, 0)),
        _const2((CP, 128)),
        _const2((128, H)),
        _const2((128, H)),
        _const2((H, H)),
        _const2((H, H)),
        _const2((64, H)),
        _const2((H, H)),
        _const2((H, H)),
        _const2((H, H)),
        _const2((H, 96)),
        _const2((H, 96)),
        _const2((CP, 4)),
        _const2((H, 1)),
        _const2((1, 2048)),
        _const2((8, 256)),
    ]
    out_specs = pl.BlockSpec((1, B, 1), lambda i: (i, 0, 0))
    f32, bf16 = jnp.float32, jnp.bfloat16
    scratch = [
        pltpu.VMEM((B, CP, 128), f32),
        pltpu.VMEM((CP, 256), f32),
        pltpu.VMEM((128, 256), f32),
        pltpu.VMEM((128, 256), bf16),
        pltpu.VMEM((256, 256), bf16),
        pltpu.VMEM((128, 256), bf16),
        pltpu.VMEM((256, 256), bf16),
        pltpu.VMEM((128, 128), bf16),
        pltpu.VMEM((128, 128), bf16),
        pltpu.VMEM((128, H), f32),
        pltpu.VMEM((128, 64), f32),
        pltpu.VMEM((H, 64), f32),
        pltpu.VMEM((128, 1), f32),
        pltpu.VMEM((CP, 128), f32),
    ]
    return in_specs, out_specs, scratch


def _tc_call(*args):
    in_specs, out_specs, scratch = _tc_specs()
    return pl.pallas_call(
        _tc_step,
        grid=(T,),
        in_specs=in_specs,
        out_specs=out_specs,
        out_shape=jax.ShapeDtypeStruct((T, B, 1), jnp.float32),
        scratch_shapes=scratch,
        compiler_params=pltpu.CompilerParams(
            dimension_semantics=("arbitrary",)),
    )(*args)


def _pack_args(adj3, radj3, r3, q_arr, qn_arr, p):
    f32 = jnp.float32
    bnscale = 1.0 / (1.0 + BN_EPS) ** 0.5
    n0, n1, fs = p["f_n0"], p["f_n1"], p["f_self"]
    wih, whh = p["gru_w_ih"], p["gru_w_hh"]
    bih, bhh = p["gru_b_ih"], p["gru_b_hh"]
    bias = jnp.concatenate([
        _btile(jnp.concatenate([n0["b1"], n1["b1"]]), 64),
        _btile(jnp.concatenate([n0["b2"], n1["b2"]]), 32),
        _btile(jnp.concatenate([n0["gamma"], n1["gamma"]])
               * bnscale, 32),
        _btile(jnp.concatenate([n0["beta"], n1["beta"]]), 32),
        _btile(jnp.concatenate([p["erase_b"], p["add_b"]]), 32),
        _btile(bih[:2 * H] + bhh[:2 * H], 32),
        _btile(bih[2 * H:], 32),
        _btile(bhh[2 * H:], 32),
        fs["b1"][None],
        fs["b2"][None],
        (fs["gamma"] * bnscale)[None],
        fs["beta"][None],
        p["pred_b"][None],
        jnp.zeros((1, 127), f32),
    ], axis=1)
    ex4 = _bdp(jnp.ones((1, 32), f32), 1, 32)
    z4 = jnp.zeros((4, 128), f32)
    ex = jnp.concatenate(
        [jnp.concatenate([ex4, z4], axis=1),
         jnp.concatenate([z4, ex4], axis=1)], axis=0)
    ar = jnp.concatenate(
        [adj3.reshape(T, R, 4), radj3.reshape(T, R, 4)], axis=-1)
    return (
        ar, r3, q_arr, qn_arr,
        p["emb_c"][:C].reshape(CP, 128),
        n0["W1"], n1["W1"], n0["W2"], n1["W2"],
        fs["W1"], fs["W2"], p["erase_W"], p["add_W"],
        wih, whh,
        p["ea_weight"].reshape(CP, 4), p["pred_W"], bias, ex,
    )


def kernel(features, questions, params):
    f32 = jnp.float32
    p = params
    q_t = questions.astype(jnp.int32).T
    f_t = features.astype(jnp.int32).T
    graph = p["graph"].astype(f32)
    embx_p = jnp.pad(p["emb_x"].astype(f32), ((0, 0), (0, 128 - E)))
    adj_all, radj_all, r_all = _sc_gather_build()(
        q_t.reshape(TB), f_t.reshape(TB), graph, graph.T, embx_p)
    adj3 = adj_all.reshape(T, B, C)
    radj3 = radj_all.reshape(T, B, C)
    r3 = r_all.reshape(T, B, 128)
    q_arr = q_t[:, :, None]
    qn_arr = jnp.concatenate(
        [q_t[1:], jnp.zeros((1, B), jnp.int32)], axis=0)[:, :, None]

    out = _tc_call(*_pack_args(adj3, radj3, r3, q_arr, qn_arr, p))
    return out[:T - 1, :, 0].T

# --- scband reference (transcript-rebuilt; emitter-appended) ---
"""Pipeline reference for scband-gkt-53429393162919 (READ-ONLY COPY).

The authoritative reference and input builder live on the scoring server;
editing this copy changes nothing except your own understanding.
"""

import jax, jax.numpy as jnp
import numpy as np

C = 512; H = 32; E = 32; B = 64; T = 20
BN_EPS = 1e-5

def _mlp_params(key, din, dh, dout):
    k1, k2, k3, k4 = jax.random.split(key, 4)
    l1 = 1.0 / np.sqrt(din); l2 = 1.0 / np.sqrt(dh)
    u = jax.random.uniform
    return {"W1": u(k1, (din, dh), minval=-l1, maxval=l1, dtype=jnp.float32),
            "b1": u(k2, (dh,), minval=-l1, maxval=l1, dtype=jnp.float32),
            "W2": u(k3, (dh, dout), minval=-l2, maxval=l2, dtype=jnp.float32),
            "b2": u(k4, (dout,), minval=-l2, maxval=l2, dtype=jnp.float32),
            "gamma": jnp.ones((dout,), jnp.float32),
            "beta": jnp.zeros((dout,), jnp.float32)}

def _mlp(p, x):
    h = jax.nn.relu(jnp.dot(x, p["W1"]) + p["b1"])
    o = jax.nn.relu(jnp.dot(h, p["W2"]) + p["b2"])
    # BatchNorm1d in eval mode: running_mean=0, running_var=1, affine gamma/beta
    return (o / jnp.sqrt(1.0 + BN_EPS)) * p["gamma"] + p["beta"]

def _gru(params, x, h):
    gi = jnp.dot(x, params["gru_w_ih"]) + params["gru_b_ih"]
    gh = jnp.dot(h, params["gru_w_hh"]) + params["gru_b_hh"]
    i_r, i_z, i_n = jnp.split(gi, 3, axis=-1)
    h_r, h_z, h_n = jnp.split(gh, 3, axis=-1)
    r = jax.nn.sigmoid(i_r + h_r)
    z = jax.nn.sigmoid(i_z + h_z)
    n = jnp.tanh(i_n + r * h_n)
    return (1.0 - z) * n + z * h

def setup_inputs(seed: int = 0):
    key = jax.random.key(seed)
    ks = jax.random.split(key, 20)
    features = jax.random.randint(ks[0], (B, T), 0, 2 * C)
    questions = jax.random.randint(ks[1], (B, T), 0, C)
    lg = 1.0 / np.sqrt(H)
    u = jax.random.uniform
    emb_c = jax.random.normal(ks[3], (C + 1, E), dtype=jnp.float32)
    emb_c = emb_c.at[C].set(0.0)  # padding_idx=-1 -> row C zeroed
    params = {
        "emb_x": jax.random.normal(ks[2], (2 * C, E), dtype=jnp.float32),
        "emb_c": emb_c,
        "graph": u(ks[4], (C, C), dtype=jnp.float32),  # PAM: nn.Parameter(torch.rand(C, C))
        "f_self": _mlp_params(ks[5], H + E, H, H),
        "f_n0": _mlp_params(ks[6], 2 * (H + E), H, H),
        "f_n1": _mlp_params(ks[7], 2 * (H + E), H, H),
        "ea_weight": u(ks[8], (C,), minval=-1.0 / np.sqrt(C), maxval=1.0 / np.sqrt(C), dtype=jnp.float32),
        "erase_W": u(ks[9], (H, H), minval=-lg, maxval=lg, dtype=jnp.float32),
        "erase_b": u(ks[10], (H,), minval=-lg, maxval=lg, dtype=jnp.float32),
        "add_W": u(ks[11], (H, H), minval=-lg, maxval=lg, dtype=jnp.float32),
        "add_b": u(ks[12], (H,), minval=-lg, maxval=lg, dtype=jnp.float32),
        "gru_w_ih": u(ks[13], (H, 3 * H), minval=-lg, maxval=lg, dtype=jnp.float32),
        "gru_w_hh": u(ks[14], (H, 3 * H), minval=-lg, maxval=lg, dtype=jnp.float32),
        "gru_b_ih": u(ks[15], (3 * H,), minval=-lg, maxval=lg, dtype=jnp.float32),
        "gru_b_hh": u(ks[16], (3 * H,), minval=-lg, maxval=lg, dtype=jnp.float32),
        "pred_W": u(ks[17], (H, 1), minval=-lg, maxval=lg, dtype=jnp.float32),
        "pred_b": u(ks[18], (1,), minval=-lg, maxval=lg, dtype=jnp.float32),
    }
    return {"features": features, "questions": questions, "params": params}

def _forward(params, features, questions):
    one_hot_feat = jnp.eye(2 * C, dtype=jnp.float32)
    arangeB = jnp.arange(B)
    ht = jnp.zeros((B, C, H), dtype=jnp.float32)
    base_ce = jnp.broadcast_to(params["emb_c"][:C][None, :, :], (B, C, E))
    preds = []
    for i in range(T):
        xt = features[:, i]
        qt = questions[:, i]
        # _aggregate: one-hot response feature -> response embedding, scattered into concept embeddings
        masked_feat = jnp.take(one_hot_feat, xt, axis=0)
        res_embedding = jnp.dot(masked_feat, params["emb_x"])
        concept_embedding = base_ce.at[arangeB, qt].set(res_embedding)
        tmp_ht = jnp.concatenate([ht, concept_embedding], axis=-1)
        # _agg_neighbors (PAM branch)
        self_ht = tmp_ht[arangeB, qt]
        self_features = _mlp(params["f_self"], self_ht)
        expanded = jnp.broadcast_to(self_ht[:, None, :], (B, C, H + E))
        neigh_ht = jnp.concatenate([expanded, tmp_ht], axis=-1)
        adj = jnp.take(params["graph"], qt, axis=0)[:, :, None]
        reverse_adj = jnp.transpose(jnp.take(params["graph"], qt, axis=1))[:, :, None]
        neigh_features = adj * _mlp(params["f_n0"], neigh_ht) + reverse_adj * _mlp(params["f_n1"], neigh_ht)
        m_next = neigh_features.at[arangeB, qt].set(self_features)
        # erase-add gate
        eg = jax.nn.sigmoid(jnp.dot(m_next, params["erase_W"]) + params["erase_b"])
        w = params["ea_weight"][None, :, None]
        tmp_x = m_next - w * eg * m_next
        add_feat = jnp.tanh(jnp.dot(m_next, params["add_W"]) + params["add_b"])
        m2 = tmp_x + w * add_feat
        # GRU cell update over (B*C, H)
        h_next = _gru(params, m2.reshape(-1, H), ht.reshape(-1, H)).reshape(B, C, H)
        ht = h_next
        if i < T - 1:
            yt = jax.nn.sigmoid(jnp.squeeze(jnp.dot(h_next, params["pred_W"]) + params["pred_b"], axis=-1))
            one_hot_qt = jax.nn.one_hot(questions[:, i + 1], C, dtype=jnp.float32)
            preds.append(jnp.sum(yt * one_hot_qt, axis=1))
    return jnp.stack(preds, axis=1)

def reference(features, questions, params):
    return _forward(params, features, questions)

if __name__ == "__main__":
    import jax
    _d = setup_inputs()
    print(jax.jit(kernel)(*tuple(_d.values())))

</pallas_src>

<mosaic_0001>
#map = affine_map<(d0, d1) -> (0)>
#map1 = affine_map<(d0, d1) -> (0, 0)>
module attributes {stable_mosaic.version = 14 : i64} {
  func.func @sc_gather(%arg0: i32, %arg1: i32, %arg2: memref<1280xi32, #tpu.memory_space<hbm>>, %arg3: memref<1280xi32, #tpu.memory_space<hbm>>, %arg4: memref<512x512xf32, #tpu.memory_space<hbm>>, %arg5: memref<512x512xf32, #tpu.memory_space<hbm>>, %arg6: memref<1024x128xf32, #tpu.memory_space<hbm>>, %arg7: memref<1280x512xf32, #tpu.memory_space<hbm>>, %arg8: memref<1280x512xf32, #tpu.memory_space<hbm>>, %arg9: memref<1280x128xf32, #tpu.memory_space<hbm>>, %arg10: memref<40xi32, #tpu.memory_space<vmem>>, %arg11: memref<40x512xf32, #tpu.memory_space<vmem>>, %arg12: memref<40x512xf32, #tpu.memory_space<vmem>>, %arg13: memref<40x128xf32, #tpu.memory_space<vmem>>, %arg14: memref<!tpu.dma_semaphore, #tpu.memory_space<semaphore_mem>>) attributes {dimension_semantics = [#tpu.dimension_semantics<core_parallel>, #tpu.dimension_semantics<subcore_parallel>], iteration_bounds = array<i64: 2, 16>, scalar_prefetch = 0 : i64, scratch_operands = 5 : i64, tpu.core_type = #tpu.core_type<sc_vector_subcore>, window_params = [{transform_indices = #map}, {transform_indices = #map}, {transform_indices = #map1}, {transform_indices = #map1}, {transform_indices = #map1}, {transform_indices = #map1}, {transform_indices = #map1}, {transform_indices = #map1}]} {
    %mul3A = arith.constant 2 : i32
    %mul3A_0 = arith.muli %arg1, %mul3A : i32
    %add3A = arith.addi %mul3A_0, %arg0 : i32
    %mul3A_1 = arith.constant 40 : i32
    %mul3A_2 = arith.muli %add3A, %mul3A_1 : i32
    "tpu.region"() ({
      %run_scoped3A = tpu.sem_alloc : memref<!tpu.dma_semaphore, #tpu.memory_space<semaphore_mem>>
      %dma_start3A_19 = tpu.memref_slice %arg2[%mul3A_2] : memref<1280xi32, #tpu.memory_space<hbm>> -> memref<40xi32, #tpu.memory_space<hbm>>
      %dma_start3A_20 = tpu.memref_slice %arg2[%mul3A_2] : memref<1280xi32, #tpu.memory_space<hbm>> -> memref<40xi32, #tpu.memory_space<hbm>>
      tpu.enqueue_dma source(%dma_start3A_20 : memref<40xi32, #tpu.memory_space<hbm>>) target(%arg10 : memref<40xi32, #tpu.memory_space<vmem>>) target_semaphore(%run_scoped3A : memref<!tpu.dma_semaphore, #tpu.memory_space<semaphore_mem>>)
      %dma_wait3A_21 = tpu.memref_slice %arg2[%mul3A_2] : memref<1280xi32, #tpu.memory_space<hbm>> -> memref<40xi32, #tpu.memory_space<hbm>>
      %dma_wait3A_22 = tpu.memref_slice %arg2[%mul3A_2] : memref<1280xi32, #tpu.memory_space<hbm>> -> memref<40xi32, #tpu.memory_space<hbm>>
      tpu.wait_dma2 semaphore(%run_scoped3A : memref<!tpu.dma_semaphore, #tpu.memory_space<semaphore_mem>>) src(%dma_wait3A_22 : memref<40xi32, #tpu.memory_space<hbm>>) dst(%arg10 : memref<40xi32, #tpu.memory_space<vmem>>)
      tpu.yield
    }) : () -> ()
    %dma_start3A = arith.constant 0 : i32
    %dma_start3A_3 = arith.constant 0 : i32
    %dma_start3A_4 = tpu.memref_slice %arg4[%dma_start3A, %dma_start3A_3] : memref<512x512xf32, #tpu.memory_space<hbm>> -> memref<512x512xf32, #tpu.memory_space<hbm>>
    tpu.enqueue_indirect_dma source(%dma_start3A_4 : memref<512x512xf32, #tpu.memory_space<hbm>>) target(%arg11 : memref<40x512xf32, #tpu.memory_space<vmem>>) offsets(%arg10 : memref<40xi32, #tpu.memory_space<vmem>>) semaphore(%arg14 : memref<!tpu.dma_semaphore, #tpu.memory_space<semaphore_mem>>)
    %dma_wait3A = arith.constant 0 : i32
    %dma_wait3A_5 = arith.constant 0 : i32
    %dma_wait3A_6 = tpu.memref_slice %arg4[%dma_wait3A, %dma_wait3A_5] : memref<512x512xf32, #tpu.memory_space<hbm>> -> memref<512x512xf32, #tpu.memory_space<hbm>>
    tpu.wait_indirect_dma semaphore(%arg14 : memref<!tpu.dma_semaphore, #tpu.memory_space<semaphore_mem>>) src(%dma_wait3A_6 : memref<512x512xf32, #tpu.memory_space<hbm>>) dst(%arg11 : memref<40x512xf32, #tpu.memory_space<vmem>>)
    "tpu.region"() ({
      %run_scoped3A = tpu.sem_alloc : memref<!tpu.dma_semaphore, #tpu.memory_space<semaphore_mem>>
      %dma_start3A_19 = arith.constant 0 : i32
      %dma_start3A_20 = tpu.memref_slice %arg7[%mul3A_2, %dma_start3A_19] : memref<1280x512xf32, #tpu.memory_space<hbm>> -> memref<40x512xf32, #tpu.memory_space<hbm>>
      %dma_start3A_21 = arith.constant 0 : i32
      %dma_start3A_22 = tpu.memref_slice %arg7[%mul3A_2, %dma_start3A_21] : memref<1280x512xf32, #tpu.memory_space<hbm>> -> memref<40x512xf32, #tpu.memory_space<hbm>>
      tpu.enqueue_dma source(%arg11 : memref<40x512xf32, #tpu.memory_space<vmem>>) target(%dma_start3A_22 : memref<40x512xf32, #tpu.memory_space<hbm>>) target_semaphore(%run_scoped3A : memref<!tpu.dma_semaphore, #tpu.memory_space<semaphore_mem>>)
      %dma_wait3A_23 = arith.constant 0 : i32
      %dma_wait3A_24 = tpu.memref_slice %arg7[%mul3A_2, %dma_wait3A_23] : memref<1280x512xf32, #tpu.memory_space<hbm>> -> memref<40x512xf32, #tpu.memory_space<hbm>>
      %dma_wait3A_25 = arith.constant 0 : i32
      %dma_wait3A_26 = tpu.memref_slice %arg7[%mul3A_2, %dma_wait3A_25] : memref<1280x512xf32, #tpu.memory_space<hbm>> -> memref<40x512xf32, #tpu.memory_space<hbm>>
      tpu.wait_dma2 semaphore(%run_scoped3A : memref<!tpu.dma_semaphore, #tpu.memory_space<semaphore_mem>>) src(%arg11 : memref<40x512xf32, #tpu.memory_space<vmem>>) dst(%dma_wait3A_26 : memref<40x512xf32, #tpu.memory_space<hbm>>)
      tpu.yield
    }) : () -> ()
    %dma_start3A_7 = arith.constant 0 : i32
    %dma_start3A_8 = arith.constant 0 : i32
    %dma_start3A_9 = tpu.memref_slice %arg5[%dma_start3A_7, %dma_start3A_8] : memref<512x512xf32, #tpu.memory_space<hbm>> -> memref<512x512xf32, #tpu.memory_space<hbm>>
    tpu.enqueue_indirect_dma source(%dma_start3A_9 : memref<512x512xf32, #tpu.memory_space<hbm>>) target(%arg12 : memref<40x512xf32, #tpu.memory_space<vmem>>) offsets(%arg10 : memref<40xi32, #tpu.memory_space<vmem>>) semaphore(%arg14 : memref<!tpu.dma_semaphore, #tpu.memory_space<semaphore_mem>>)
    %dma_wait3A_10 = arith.constant 0 : i32
    %dma_wait3A_11 = arith.constant 0 : i32
    %dma_wait3A_12 = tpu.memref_slice %arg5[%dma_wait3A_10, %dma_wait3A_11] : memref<512x512xf32, #tpu.memory_space<hbm>> -> memref<512x512xf32, #tpu.memory_space<hbm>>
    tpu.wait_indirect_dma semaphore(%arg14 : memref<!tpu.dma_semaphore, #tpu.memory_space<semaphore_mem>>) src(%dma_wait3A_12 : memref<512x512xf32, #tpu.memory_space<hbm>>) dst(%arg12 : memref<40x512xf32, #tpu.memory_space<vmem>>)
    "tpu.region"() ({
      %run_scoped3A = tpu.sem_alloc : memref<!tpu.dma_semaphore, #tpu.memory_space<semaphore_mem>>
      %dma_start3A_19 = arith.constant 0 : i32
      %dma_start3A_20 = tpu.memref_slice %arg8[%mul3A_2, %dma_start3A_19] : memref<1280x512xf32, #tpu.memory_space<hbm>> -> memref<40x512xf32, #tpu.memory_space<hbm>>
      %dma_start3A_21 = arith.constant 0 : i32
      %dma_start3A_22 = tpu.memref_slice %arg8[%mul3A_2, %dma_start3A_21] : memref<1280x512xf32, #tpu.memory_space<hbm>> -> memref<40x512xf32, #tpu.memory_space<hbm>>
      tpu.enqueue_dma source(%arg12 : memref<40x512xf32, #tpu.memory_space<vmem>>) target(%dma_start3A_22 : memref<40x512xf32, #tpu.memory_space<hbm>>) target_semaphore(%run_scoped3A : memref<!tpu.dma_semaphore, #tpu.memory_space<semaphore_mem>>)
      %dma_wait3A_23 = arith.constant 0 : i32
      %dma_wait3A_24 = tpu.memref_slice %arg8[%mul3A_2, %dma_wait3A_23] : memref<1280x512xf32, #tpu.memory_space<hbm>> -> memref<40x512xf32, #tpu.memory_space<hbm>>
      %dma_wait3A_25 = arith.constant 0 : i32
      %dma_wait3A_26 = tpu.memref_slice %arg8[%mul3A_2, %dma_wait3A_25] : memref<1280x512xf32, #tpu.memory_space<hbm>> -> memref<40x512xf32, #tpu.memory_space<hbm>>
      tpu.wait_dma2 semaphore(%run_scoped3A : memref<!tpu.dma_semaphore, #tpu.memory_space<semaphore_mem>>) src(%arg12 : memref<40x512xf32, #tpu.memory_space<vmem>>) dst(%dma_wait3A_26 : memref<40x512xf32, #tpu.memory_space<hbm>>)
      tpu.yield
    }) : () -> ()
    "tpu.region"() ({
      %run_scoped3A = tpu.sem_alloc : memref<!tpu.dma_semaphore, #tpu.memory_space<semaphore_mem>>
      %dma_start3A_19 = tpu.memref_slice %arg3[%mul3A_2] : memref<1280xi32, #tpu.memory_space<hbm>> -> memref<40xi32, #tpu.memory_space<hbm>>
      %dma_start3A_20 = tpu.memref_slice %arg3[%mul3A_2] : memref<1280xi32, #tpu.memory_space<hbm>> -> memref<40xi32, #tpu.memory_space<hbm>>
      tpu.enqueue_dma source(%dma_start3A_20 : memref<40xi32, #tpu.memory_space<hbm>>) target(%arg10 : memref<40xi32, #tpu.memory_space<vmem>>) target_semaphore(%run_scoped3A : memref<!tpu.dma_semaphore, #tpu.memory_space<semaphore_mem>>)
      %dma_wait3A_21 = tpu.memref_slice %arg3[%mul3A_2] : memref<1280xi32, #tpu.memory_space<hbm>> -> memref<40xi32, #tpu.memory_space<hbm>>
      %dma_wait3A_22 = tpu.memref_slice %arg3[%mul3A_2] : memref<1280xi32, #tpu.memory_space<hbm>> -> memref<40xi32, #tpu.memory_space<hbm>>
      tpu.wait_dma2 semaphore(%run_scoped3A : memref<!tpu.dma_semaphore, #tpu.memory_space<semaphore_mem>>) src(%dma_wait3A_22 : memref<40xi32, #tpu.memory_space<hbm>>) dst(%arg10 : memref<40xi32, #tpu.memory_space<vmem>>)
      tpu.yield
    }) : () -> ()
    %dma_start3A_13 = arith.constant 0 : i32
    %dma_start3A_14 = arith.constant 0 : i32
    %dma_start3A_15 = tpu.memref_slice %arg6[%dma_start3A_13, %dma_start3A_14] : memref<1024x128xf32, #tpu.memory_space<hbm>> -> memref<1024x128xf32, #tpu.memory_space<hbm>>
    tpu.enqueue_indirect_dma source(%dma_start3A_15 : memref<1024x128xf32, #tpu.memory_space<hbm>>) target(%arg13 : memref<40x128xf32, #tpu.memory_space<vmem>>) offsets(%arg10 : memref<40xi32, #tpu.memory_space<vmem>>) semaphore(%arg14 : memref<!tpu.dma_semaphore, #tpu.memory_space<semaphore_mem>>)
    %dma_wait3A_16 = arith.constant 0 : i32
    %dma_wait3A_17 = arith.constant 0 : i32
    %dma_wait3A_18 = tpu.memref_slice %arg6[%dma_wait3A_16, %dma_wait3A_17] : memref<1024x128xf32, #tpu.memory_space<hbm>> -> memref<1024x128xf32, #tpu.memory_space<hbm>>
    tpu.wait_indirect_dma semaphore(%arg14 : memref<!tpu.dma_semaphore, #tpu.memory_space<semaphore_mem>>) src(%dma_wait3A_18 : memref<1024x128xf32, #tpu.memory_space<hbm>>) dst(%arg13 : memref<40x128xf32, #tpu.memory_space<vmem>>)
    "tpu.region"() ({
      %run_scoped3A = tpu.sem_alloc : memref<!tpu.dma_semaphore, #tpu.memory_space<semaphore_mem>>
      %dma_start3A_19 = arith.constant 0 : i32
      %dma_start3A_20 = tpu.memref_slice %arg9[%mul3A_2, %dma_start3A_19] : memref<1280x128xf32, #tpu.memory_space<hbm>> -> memref<40x128xf32, #tpu.memory_space<hbm>>
      %dma_start3A_21 = arith.constant 0 : i32
      %dma_start3A_22 = tpu.memref_slice %arg9[%mul3A_2, %dma_start3A_21] : memref<1280x128xf32, #tpu.memory_space<hbm>> -> memref<40x128xf32, #tpu.memory_space<hbm>>
      tpu.enqueue_dma source(%arg13 : memref<40x128xf32, #tpu.memory_space<vmem>>) target(%dma_start3A_22 : memref<40x128xf32, #tpu.memory_space<hbm>>) target_semaphore(%run_scoped3A : memref<!tpu.dma_semaphore, #tpu.memory_space<semaphore_mem>>)
      %dma_wait3A_23 = arith.constant 0 : i32
      %dma_wait3A_24 = tpu.memref_slice %arg9[%mul3A_2, %dma_wait3A_23] : memref<1280x128xf32, #tpu.memory_space<hbm>> -> memref<40x128xf32, #tpu.memory_space<hbm>>
      %dma_wait3A_25 = arith.constant 0 : i32
      %dma_wait3A_26 = tpu.memref_slice %arg9[%mul3A_2, %dma_wait3A_25] : memref<1280x128xf32, #tpu.memory_space<hbm>> -> memref<40x128xf32, #tpu.memory_space<hbm>>
      tpu.wait_dma2 semaphore(%run_scoped3A : memref<!tpu.dma_semaphore, #tpu.memory_space<semaphore_mem>>) src(%arg13 : memref<40x128xf32, #tpu.memory_space<vmem>>) dst(%dma_wait3A_26 : memref<40x128xf32, #tpu.memory_space<hbm>>)
      tpu.yield
    }) : () -> ()
    return
  }
}

module attributes {stable_mosaic.version = 14 : i64} {
  func.func @_tc_step(%arg0: i32, %arg1: memref<1x8192x8xf32, #tpu.memory_space<vmem>>, %arg2: memref<1x64x128xf32, #tpu.memory_space<vmem>>, %arg3: memref<1x64x1xi32, #tpu.memory_space<vmem>>, %arg4: memref<1x64x1xi32, #tpu.memory_space<vmem>>, %arg5: memref<128x128xf32, #tpu.memory_space<vmem>>, %arg6: memref<128x32xf32, #tpu.memory_space<vmem>>, %arg7: memref<128x32xf32, #tpu.memory_space<vmem>>, %arg8: memref<32x32xf32, #tpu.memory_space<vmem>>, %arg9: memref<32x32xf32, #tpu.memory_space<vmem>>, %arg10: memref<64x32xf32, #tpu.memory_space<vmem>>, %arg11: memref<32x32xf32, #tpu.memory_space<vmem>>, %arg12: memref<32x32xf32, #tpu.memory_space<vmem>>, %arg13: memref<32x32xf32, #tpu.memory_space<vmem>>, %arg14: memref<32x96xf32, #tpu.memory_space<vmem>>, %arg15: memref<32x96xf32, #tpu.memory_space<vmem>>, %arg16: memref<128x4xf32, #tpu.memory_space<vmem>>, %arg17: memref<32x1xf32, #tpu.memory_space<vmem>>, %arg18: memref<1x2048xf32, #tpu.memory_space<vmem>>, %arg19: memref<8x256xf32, #tpu.memory_space<vmem>>, %arg20: memref<1x64x1xf32, #tpu.memory_space<vmem>>, %arg21: memref<64x128x128xf32, #tpu.memory_space<vmem>>, %arg22: memref<128x256xf32, #tpu.memory_space<vmem>>, %arg23: memref<128x256xf32, #tpu.memory_space<vmem>>, %arg24: memref<128x256xbf16, #tpu.memory_space<vmem>>, %arg25: memref<256x256xbf16, #tpu.memory_space<vmem>>, %arg26: memref<128x256xbf16, #tpu.memory_space<vmem>>, %arg27: memref<256x256xbf16, #tpu.memory_space<vmem>>, %arg28: memref<128x128xbf16, #tpu.memory_space<vmem>>, %arg29: memref<128x128xbf16, #tpu.memory_space<vmem>>, %arg30: memref<128x32xf32, #tpu.memory_space<vmem>>, %arg31: memref<128x64xf32, #tpu.memory_space<vmem>>, %arg32: memref<32x64xf32, #tpu.memory_space<vmem>>, %arg33: memref<128x1xf32, #tpu.memory_space<vmem>>, %arg34: memref<128x128xf32, #tpu.memory_space<vmem>>) attributes {dimension_semantics = [#tpu.dimension_semantics<arbitrary>], iteration_bounds = array<i64: 20>, scalar_prefetch = 0 : i64, scratch_operands = 14 : i64, tpu.core_type = #tpu.core_type<tc>, window_params = [{transform_indices = @transform_0, window_bounds = array<i64: 1, 8192, 8>}, {transform_indices = @transform_1, window_bounds = array<i64: 1, 64, 128>}, {transform_indices = @transform_2, window_bounds = array<i64: 1, 64, 1>}, {transform_indices = @transform_3, window_bounds = array<i64: 1, 64, 1>}, {pipeline_mode = #tpu.pipeline_mode<synchronous>, transform_indices = @transform_4, window_bounds = array<i64: 128, 128>}, {pipeline_mode = #tpu.pipeline_mode<synchronous>, transform_indices = @transform_5, window_bounds = array<i64: 128, 32>}, {pipeline_mode = #tpu.pipeline_mode<synchronous>, transform_indices = @transform_6, window_bounds = array<i64: 128, 32>}, {pipeline_mode = #tpu.pipeline_mode<synchronous>, transform_indices = @transform_7, window_bounds = array<i64: 32, 32>}, {pipeline_mode = #tpu.pipeline_mode<synchronous>, transform_indices = @transform_8, window_bounds = array<i64: 32, 32>}, {pipeline_mode = #tpu.pipeline_mode<synchronous>, transform_indices = @transform_9, window_bounds = array<i64: 64, 32>}, {pipeline_mode = #tpu.pipeline_mode<synchronous>, transform_indices = @transform_10, window_bounds = array<i64: 32, 32>}, {pipeline_mode = #tpu.pipeline_mode<synchronous>, transform_indices = @transform_11, window_bounds = array<i64: 32, 32>}, {pipeline_mode = #tpu.pipeline_mode<synchronous>, transform_indices = @transform_12, window_bounds = array<i64: 32, 32>}, {pipeline_mode = #tpu.pipeline_mode<synchronous>, transform_indices = @transform_13, window_bounds = array<i64: 32, 96>}, {pipeline_mode = #tpu.pipeline_mode<synchronous>, transform_indices = @transform_14, window_bounds = array<i64: 32, 96>}, {pipeline_mode = #tpu.pipeline_mode<synchronous>, transform_indices = @transform_15, window_bounds = array<i64: 128, 4>}, {pipeline_mode = #tpu.pipeline_mode<synchronous>, transform_indices = @transform_16, window_bounds = array<i64: 32, 1>}, {pipeline_mode = #tpu.pipeline_mode<synchronous>, transform_indices = @transform_17, window_bounds = array<i64: 1, 2048>}, {pipeline_mode = #tpu.pipeline_mode<synchronous>, transform_indices = @transform_18, window_bounds = array<i64: 8, 256>}, {transform_indices = @transform_19, window_bounds = array<i64: 1, 64, 1>}]} {
    %eq3A = arith.constant 0 : i32
    %eq3A_0 = arith.cmpi eq, %arg0, %eq3A : i32
    %convert_element_type3A = arith.extui %eq3A_0 : i1 to i32
    %cond3A = arith.constant 0 : i32
    %cond3A_1 = arith.cmpi ne, %convert_element_type3A, %cond3A : i32
    scf.if %cond3A_1 {
      %broadcast_in_dim3A_296 = arith.constant 0.000000e+00 : f32
      %broadcast_in_dim3A_297 = vector.broadcast %broadcast_in_dim3A_296 : f32 to vector<64x128x128xf32>
      %swap3A_298 = arith.constant 0 : index
      %swap3A_299 = arith.constant 0 : index
      %swap3A_300 = arith.constant 0 : index
      %swap3A_301 = vector.load %arg21[%swap3A_298, %swap3A_299, %swap3A_300] : memref<64x128x128xf32, #tpu.memory_space<vmem>>, vector<64x128x128xf32>
      tpu.vector_store %arg21[%swap3A_298, %swap3A_299, %swap3A_300], %broadcast_in_dim3A_297 {strides = array<i32>} : memref<64x128x128xf32, #tpu.memory_space<vmem>>, vector<64x128x128xf32>,
      %broadcast_in_dim3A_302 = arith.constant 0.000000e+00 : f32
      %broadcast_in_dim3A_303 = vector.broadcast %broadcast_in_dim3A_302 : f32 to vector<128x256xf32>
      %swap3A_304 = arith.constant 0 : index
      %swap3A_305 = arith.constant 0 : index
      %swap3A_306 = vector.load %arg23[%swap3A_304, %swap3A_305] : memref<128x256xf32, #tpu.memory_space<vmem>>, vector<128x256xf32>
      tpu.vector_store %arg23[%swap3A_304, %swap3A_305], %broadcast_in_dim3A_303 {strides = array<i32>} : memref<128x256xf32, #tpu.memory_space<vmem>>, vector<128x256xf32>,
      %broadcast_in_dim3A_307 = arith.constant 0.000000e+00 : bf16
      %broadcast_in_dim3A_308 = vector.broadcast %broadcast_in_dim3A_307 : bf16 to vector<128x256xbf16>
      %swap3A_309 = arith.constant 0 : index
      %swap3A_310 = arith.constant 0 : index
      %swap3A_311 = vector.load %arg24[%swap3A_309, %swap3A_310] : memref<128x256xbf16, #tpu.memory_space<vmem>>, vector<128x256xbf16>
      tpu.vector_store %arg24[%swap3A_309, %swap3A_310], %broadcast_in_dim3A_308 {strides = array<i32>} : memref<128x256xbf16, #tpu.memory_space<vmem>>, vector<128x256xbf16>,
      %broadcast_in_dim3A_312 = arith.constant 0.000000e+00 : bf16
      %broadcast_in_dim3A_313 = vector.broadcast %broadcast_in_dim3A_312 : bf16 to vector<256x256xbf16>
      %swap3A_314 = arith.constant 0 : index
      %swap3A_315 = arith.constant 0 : index
      %swap3A_316 = vector.load %arg25[%swap3A_314, %swap3A_315] : memref<256x256xbf16, #tpu.memory_space<vmem>>, vector<256x256xbf16>
      tpu.vector_store %arg25[%swap3A_314, %swap3A_315], %broadcast_in_dim3A_313 {strides = array<i32>} : memref<256x256xbf16, #tpu.memory_space<vmem>>, vector<256x256xbf16>,
      %broadcast_in_dim3A_317 = arith.constant 0.000000e+00 : bf16
      %broadcast_in_dim3A_318 = vector.broadcast %broadcast_in_dim3A_317 : bf16 to vector<128x256xbf16>
      %swap3A_319 = arith.constant 0 : index
      %swap3A_320 = arith.constant 0 : index
      %swap3A_321 = vector.load %arg26[%swap3A_319, %swap3A_320] : memref<128x256xbf16, #tpu.memory_space<vmem>>, vector<128x256xbf16>
      tpu.vector_store %arg26[%swap3A_319, %swap3A_320], %broadcast_in_dim3A_318 {strides = array<i32>} : memref<128x256xbf16, #tpu.memory_space<vmem>>, vector<128x256xbf16>,
      %broadcast_in_dim3A_322 = arith.constant 0.000000e+00 : bf16
      %broadcast_in_dim3A_323 = vector.broadcast %broadcast_in_dim3A_322 : bf16 to vector<256x256xbf16>
      %swap3A_324 = arith.constant 0 : index
      %swap3A_325 = arith.constant 0 : index
      %swap3A_326 = vector.load %arg27[%swap3A_324, %swap3A_325] : memref<256x256xbf16, #tpu.memory_space<vmem>>, vector<256x256xbf16>
      tpu.vector_store %arg27[%swap3A_324, %swap3A_325], %broadcast_in_dim3A_323 {strides = array<i32>} : memref<256x256xbf16, #tpu.memory_space<vmem>>, vector<256x256xbf16>,
      %broadcast_in_dim3A_327 = arith.constant 0.000000e+00 : bf16
      %broadcast_in_dim3A_328 = vector.broadcast %broadcast_in_dim3A_327 : bf16 to vector<128x128xbf16>
      %swap3A_329 = arith.constant 0 : index
      %swap3A_330 = arith.constant 0 : index
      %swap3A_331 = vector.load %arg28[%swap3A_329, %swap3A_330] : memref<128x128xbf16, #tpu.memory_space<vmem>>, vector<128x128xbf16>
      tpu.vector_store %arg28[%swap3A_329, %swap3A_330], %broadcast_in_dim3A_328 {strides = array<i32>} : memref<128x128xbf16, #tpu.memory_space<vmem>>, vector<128x128xbf16>,
      %broadcast_in_dim3A_332 = arith.constant 0.000000e+00 : bf16
      %broadcast_in_dim3A_333 = vector.broadcast %broadcast_in_dim3A_332 : bf16 to vector<128x128xbf16>
      %swap3A_334 = arith.constant 0 : index
      %swap3A_335 = arith.constant 0 : index
      %swap3A_336 = vector.load %arg29[%swap3A_334, %swap3A_335] : memref<128x128xbf16, #tpu.memory_space<vmem>>, vector<128x128xbf16>
      tpu.vector_store %arg29[%swap3A_334, %swap3A_335], %broadcast_in_dim3A_333 {strides = array<i32>} : memref<128x128xbf16, #tpu.memory_space<vmem>>, vector<128x128xbf16>,
      %get3A_337 = arith.constant 96 : index
      %get3A_338 = arith.constant 0 : index
      %get3A_339 = vector.load %arg6[%get3A_337, %get3A_338] : memref<128x32xf32, #tpu.memory_space<vmem>>, vector<32x32xf32>
      %swap3A_340 = arith.constant 0 : index
      %swap3A_341 = arith.constant 0 : index
      %swap3A_342 = vector.load %arg23[%swap3A_340, %swap3A_341] : memref<128x256xf32, #tpu.memory_space<vmem>>, vector<32x32xf32>
      tpu.vector_store %arg23[%swap3A_340, %swap3A_341], %get3A_339 {strides = array<i32>} : memref<128x256xf32, #tpu.memory_space<vmem>>, vector<32x32xf32>,
      %get3A_343 = arith.constant 96 : index
      %get3A_344 = arith.constant 0 : index
      %get3A_345 = vector.load %arg7[%get3A_343, %get3A_344] : memref<128x32xf32, #tpu.memory_space<vmem>>, vector<32x32xf32>
      %swap3A_346 = arith.constant 0 : index
      %swap3A_347 = arith.constant 32 : index
      %swap3A_348 = vector.load %arg23[%swap3A_346, %swap3A_347] : memref<128x256xf32, #tpu.memory_space<vmem>>, vector<32x32xf32>
      tpu.vector_store %arg23[%swap3A_346, %swap3A_347], %get3A_345 {strides = array<i32>} : memref<128x256xf32, #tpu.memory_space<vmem>>, vector<32x32xf32>,
      %get3A_349 = arith.constant 64 : index
      %get3A_350 = arith.constant 0 : index
      %get3A_351 = vector.load %arg6[%get3A_349, %get3A_350] : memref<128x32xf32, #tpu.memory_space<vmem>>, vector<32x32xf32>
      %convert_element_type3A_352 = arith.truncf %get3A_351 : vector<32x32xf32> to vector<32x32xbf16>
      %swap3A_353 = arith.constant 0 : index
      %swap3A_354 = arith.constant 0 : index
      %swap3A_355 = vector.load %arg24[%swap3A_353, %swap3A_354] : memref<128x256xbf16, #tpu.memory_space<vmem>>, vector<32x32xbf16>
      tpu.vector_store %arg24[%swap3A_353, %swap3A_354], %convert_element_type3A_352 {strides = array<i32>} : memref<128x256xbf16, #tpu.memory_space<vmem>>, vector<32x32xbf16>,
      %get3A_356 = arith.constant 64 : index
      %get3A_357 = arith.constant 0 : index
      %get3A_358 = vector.load %arg7[%get3A_356, %get3A_357] : memref<128x32xf32, #tpu.memory_space<vmem>>, vector<32x32xf32>
      %convert_element_type3A_359 = arith.truncf %get3A_358 : vector<32x32xf32> to vector<32x32xbf16>
      %swap3A_360 = arith.constant 0 : index
      %swap3A_361 = arith.constant 32 : index
      %swap3A_362 = vector.load %arg24[%swap3A_360, %swap3A_361] : memref<128x256xbf16, #tpu.memory_space<vmem>>, vector<32x32xbf16>
      tpu.vector_store %arg24[%swap3A_360, %swap3A_361], %convert_element_type3A_359 {strides = array<i32>} : memref<128x256xbf16, #tpu.memory_space<vmem>>, vector<32x32xbf16>,
      %get3A_363 = arith.constant 0 : index
      %get3A_364 = arith.constant 0 : index
      %get3A_365 = vector.load %arg8[%get3A_363, %get3A_364] : memref<32x32xf32, #tpu.memory_space<vmem>>, vector<32x32xf32>
      %convert_element_type3A_366 = arith.truncf %get3A_365 : vector<32x32xf32> to vector<32x32xbf16>
      %swap3A_367 = arith.constant 0 : index
      %swap3A_368 = arith.constant 0 : index
      %swap3A_369 = vector.load %arg25[%swap3A_367, %swap3A_368] : memref<256x256xbf16, #tpu.memory_space<vmem>>, vector<32x32xbf16>
      tpu.vector_store %arg25[%swap3A_367, %swap3A_368], %convert_element_type3A_366 {strides = array<i32>} : memref<256x256xbf16, #tpu.memory_space<vmem>>, vector<32x32xbf16>,
      %get3A_370 = arith.constant 0 : index
      %get3A_371 = arith.constant 0 : index
      %get3A_372 = vector.load %arg9[%get3A_370, %get3A_371] : memref<32x32xf32, #tpu.memory_space<vmem>>, vector<32x32xf32>
      %convert_element_type3A_373 = arith.truncf %get3A_372 : vector<32x32xf32> to vector<32x32xbf16>
      %swap3A_374 = arith.constant 32 : index
      %swap3A_375 = arith.constant 128 : index
      %swap3A_376 = vector.load %arg25[%swap3A_374, %swap3A_375] : memref<256x256xbf16, #tpu.memory_space<vmem>>, vector<32x32xbf16>
      tpu.vector_store %arg25[%swap3A_374, %swap3A_375], %convert_element_type3A_373 {strides = array<i32>} : memref<256x256xbf16, #tpu.memory_space<vmem>>, vector<32x32xbf16>,
      %get3A_377 = arith.constant 0 : index
      %get3A_378 = arith.constant 0 : index
      %get3A_379 = vector.load %arg12[%get3A_377, %get3A_378] : memref<32x32xf32, #tpu.memory_space<vmem>>, vector<32x32xf32>
      %convert_element_type3A_380 = arith.truncf %get3A_379 : vector<32x32xf32> to vector<32x32xbf16>
      %swap3A_381 = arith.constant 0 : index
      %swap3A_382 = arith.constant 0 : index
      %swap3A_383 = vector.load %arg26[%swap3A_381, %swap3A_382] : memref<128x256xbf16, #tpu.memory_space<vmem>>, vector<32x32xbf16>
      tpu.vector_store %arg26[%swap3A_381, %swap3A_382], %convert_element_type3A_380 {strides = array<i32>} : memref<128x256xbf16, #tpu.memory_space<vmem>>, vector<32x32xbf16>,
      %get3A_384 = arith.constant 0 : index
      %get3A_385 = arith.constant 0 : index
      %get3A_386 = vector.load %arg13[%get3A_384, %get3A_385] : memref<32x32xf32, #tpu.memory_space<vmem>>, vector<32x32xf32>
      %convert_element_type3A_387 = arith.truncf %get3A_386 : vector<32x32xf32> to vector<32x32xbf16>
      %swap3A_388 = arith.constant 0 : index
      %swap3A_389 = arith.constant 128 : index
      %swap3A_390 = vector.load %arg26[%swap3A_388, %swap3A_389] : memref<128x256xbf16, #tpu.memory_space<vmem>>, vector<32x32xbf16>
      tpu.vector_store %arg26[%swap3A_388, %swap3A_389], %convert_element_type3A_387 {strides = array<i32>} : memref<128x256xbf16, #tpu.memory_space<vmem>>, vector<32x32xbf16>,
      %get3A_391 = arith.constant 0 : index
      %get3A_392 = arith.constant 0 : index
      %get3A_393 = vector.load %arg14[%get3A_391, %get3A_392] : memref<32x96xf32, #tpu.memory_space<vmem>>, vector<32x32xf32>
      %convert_element_type3A_394 = arith.truncf %get3A_393 : vector<32x32xf32> to vector<32x32xbf16>
      %swap3A_395 = arith.constant 0 : index
      %swap3A_396 = arith.constant 0 : index
      %swap3A_397 = vector.load %arg27[%swap3A_395, %swap3A_396] : memref<256x256xbf16, #tpu.memory_space<vmem>>, vector<32x32xbf16>
      tpu.vector_store %arg27[%swap3A_395, %swap3A_396], %convert_element_type3A_394 {strides = array<i32>} : memref<256x256xbf16, #tpu.memory_space<vmem>>, vector<32x32xbf16>,
      %get3A_398 = arith.constant 0 : index
      %get3A_399 = arith.constant 32 : index
      %get3A_400 = vector.load %arg14[%get3A_398, %get3A_399] : memref<32x96xf32, #tpu.memory_space<vmem>>, vector<32x32xf32>
      %convert_element_type3A_401 = arith.truncf %get3A_400 : vector<32x32xf32> to vector<32x32xbf16>
      %swap3A_402 = arith.constant 0 : index
      %swap3A_403 = arith.constant 128 : index
      %swap3A_404 = vector.load %arg27[%swap3A_402, %swap3A_403] : memref<256x256xbf16, #tpu.memory_space<vmem>>, vector<32x32xbf16>
      tpu.vector_store %arg27[%swap3A_402, %swap3A_403], %convert_element_type3A_401 {strides = array<i32>} : memref<256x256xbf16, #tpu.memory_space<vmem>>, vector<32x32xbf16>,
      %get3A_405 = arith.constant 0 : index
      %get3A_406 = arith.constant 0 : index
      %get3A_407 = vector.load %arg15[%get3A_405, %get3A_406] : memref<32x96xf32, #tpu.memory_space<vmem>>, vector<32x32xf32>
      %convert_element_type3A_408 = arith.truncf %get3A_407 : vector<32x32xf32> to vector<32x32xbf16>
      %swap3A_409 = arith.constant 128 : index
      %swap3A_410 = arith.constant 0 : index
      %swap3A_411 = vector.load %arg27[%swap3A_409, %swap3A_410] : memref<256x256xbf16, #tpu.memory_space<vmem>>, vector<32x32xbf16>
      tpu.vector_store %arg27[%swap3A_409, %swap3A_410], %convert_element_type3A_408 {strides = array<i32>} : memref<256x256xbf16, #tpu.memory_space<vmem>>, vector<32x32xbf16>,
      %get3A_412 = arith.constant 0 : index
      %get3A_413 = arith.constant 32 : index
      %get3A_414 = vector.load %arg15[%get3A_412, %get3A_413] : memref<32x96xf32, #tpu.memory_space<vmem>>, vector<32x32xf32>
      %convert_element_type3A_415 = arith.truncf %get3A_414 : vector<32x32xf32> to vector<32x32xbf16>
      %swap3A_416 = arith.constant 128 : index
      %swap3A_417 = arith.constant 128 : index
      %swap3A_418 = vector.load %arg27[%swap3A_416, %swap3A_417] : memref<256x256xbf16, #tpu.memory_space<vmem>>, vector<32x32xbf16>
      tpu.vector_store %arg27[%swap3A_416, %swap3A_417], %convert_element_type3A_415 {strides = array<i32>} : memref<256x256xbf16, #tpu.memory_space<vmem>>, vector<32x32xbf16>,
      %get3A_419 = arith.constant 0 : index
      %get3A_420 = arith.constant 64 : index
      %get3A_421 = vector.load %arg14[%get3A_419, %get3A_420] : memref<32x96xf32, #tpu.memory_space<vmem>>, vector<32x32xf32>
      %convert_element_type3A_422 = arith.truncf %get3A_421 : vector<32x32xf32> to vector<32x32xbf16>
      %swap3A_423 = arith.constant 0 : index
      %swap3A_424 = arith.constant 0 : index
      %swap3A_425 = vector.load %arg28[%swap3A_423, %swap3A_424] : memref<128x128xbf16, #tpu.memory_space<vmem>>, vector<32x32xbf16>
      tpu.vector_store %arg28[%swap3A_423, %swap3A_424], %convert_element_type3A_422 {strides = array<i32>} : memref<128x128xbf16, #tpu.memory_space<vmem>>, vector<32x32xbf16>,
      %get3A_426 = arith.constant 0 : index
      %get3A_427 = arith.constant 64 : index
      %get3A_428 = vector.load %arg15[%get3A_426, %get3A_427] : memref<32x96xf32, #tpu.memory_space<vmem>>, vector<32x32xf32>
      %convert_element_type3A_429 = arith.truncf %get3A_428 : vector<32x32xf32> to vector<32x32xbf16>
      %swap3A_430 = arith.constant 0 : index
      %swap3A_431 = arith.constant 0 : index
      %swap3A_432 = vector.load %arg29[%swap3A_430, %swap3A_431] : memref<128x128xbf16, #tpu.memory_space<vmem>>, vector<32x32xbf16>
      tpu.vector_store %arg29[%swap3A_430, %swap3A_431], %convert_element_type3A_429 {strides = array<i32>} : memref<128x128xbf16, #tpu.memory_space<vmem>>, vector<32x32xbf16>,
      %get3A_433 = arith.constant 0 : index
      %get3A_434 = arith.constant 0 : index
      %get3A_435 = vector.load %arg10[%get3A_433, %get3A_434] : memref<64x32xf32, #tpu.memory_space<vmem>>, vector<32x32xf32>
      %swap3A_436 = arith.constant 0 : index
      %swap3A_437 = arith.constant 0 : index
      %swap3A_438 = vector.load %arg30[%swap3A_436, %swap3A_437] : memref<128x32xf32, #tpu.memory_space<vmem>>, vector<32x32xf32>
      tpu.vector_store %arg30[%swap3A_436, %swap3A_437], %get3A_435 {strides = array<i32>} : memref<128x32xf32, #tpu.memory_space<vmem>>, vector<32x32xf32>,
      %get3A_439 = arith.constant 0 : index
      %get3A_440 = arith.constant 0 : index
      %get3A_441 = vector.load %arg6[%get3A_439, %get3A_440] : memref<128x32xf32, #tpu.memory_space<vmem>>, vector<32x32xf32>
      %swap3A_442 = arith.constant 0 : index
      %swap3A_443 = arith.constant 0 : index
      %swap3A_444 = vector.load %arg31[%swap3A_442, %swap3A_443] : memref<128x64xf32, #tpu.memory_space<vmem>>, vector<32x32xf32>
      tpu.vector_store %arg31[%swap3A_442, %swap3A_443], %get3A_441 {strides = array<i32>} : memref<128x64xf32, #tpu.memory_space<vmem>>, vector<32x32xf32>,
      %get3A_445 = arith.constant 0 : index
      %get3A_446 = arith.constant 0 : index
      %get3A_447 = vector.load %arg7[%get3A_445, %get3A_446] : memref<128x32xf32, #tpu.memory_space<vmem>>, vector<32x32xf32>
      %swap3A_448 = arith.constant 0 : index
      %swap3A_449 = arith.constant 32 : index
      %swap3A_450 = vector.load %arg31[%swap3A_448, %swap3A_449] : memref<128x64xf32, #tpu.memory_space<vmem>>, vector<32x32xf32>
      tpu.vector_store %arg31[%swap3A_448, %swap3A_449], %get3A_447 {strides = array<i32>} : memref<128x64xf32, #tpu.memory_space<vmem>>, vector<32x32xf32>,
      %get3A_451 = arith.constant 0 : index
      %get3A_452 = arith.constant 0 : index
      %get3A_453 = vector.load %arg17[%get3A_451, %get3A_452] : memref<32x1xf32, #tpu.memory_space<vmem>>, vector<32x1xf32>
      %swap3A_454 = arith.constant 0 : index
      %swap3A_455 = arith.constant 0 : index
      %swap3A_456 = vector.load %arg33[%swap3A_454, %swap3A_455] : memref<128x1xf32, #tpu.memory_space<vmem>>, vector<32x1xf32>
      tpu.vector_store %arg33[%swap3A_454, %swap3A_455], %get3A_453 {strides = array<i32>} : memref<128x1xf32, #tpu.memory_space<vmem>>, vector<32x1xf32>,
      %get3A_457 = arith.constant 96 : index
      %get3A_458 = arith.constant 0 : index
      %get3A_459 = vector.load %arg6[%get3A_457, %get3A_458] : memref<128x32xf32, #tpu.memory_space<vmem>>, vector<32x32xf32>
      %swap3A_460 = arith.constant 32 : index
      %swap3A_461 = arith.constant 64 : index
      %swap3A_462 = vector.load %arg23[%swap3A_460, %swap3A_461] : memref<128x256xf32, #tpu.memory_space<vmem>>, vector<32x32xf32>
      tpu.vector_store %arg23[%swap3A_460, %swap3A_461], %get3A_459 {strides = array<i32>} : memref<128x256xf32, #tpu.memory_space<vmem>>, vector<32x32xf32>,
      %get3A_463 = arith.constant 96 : index
      %get3A_464 = arith.constant 0 : index
      %get3A_465 = vector.load %arg7[%get3A_463, %get3A_464] : memref<128x32xf32, #tpu.memory_space<vmem>>, vector<32x32xf32>
      %swap3A_466 = arith.constant 32 : index
      %swap3A_467 = arith.constant 96 : index
      %swap3A_468 = vector.load %arg23[%swap3A_466, %swap3A_467] : memref<128x256xf32, #tpu.memory_space<vmem>>, vector<32x32xf32>
      tpu.vector_store %arg23[%swap3A_466, %swap3A_467], %get3A_465 {strides = array<i32>} : memref<128x256xf32, #tpu.memory_space<vmem>>, vector<32x32xf32>,
      %get3A_469 = arith.constant 64 : index
      %get3A_470 = arith.constant 0 : index
      %get3A_471 = vector.load %arg6[%get3A_469, %get3A_470] : memref<128x32xf32, #tpu.memory_space<vmem>>, vector<32x32xf32>
      %convert_element_type3A_472 = arith.truncf %get3A_471 : vector<32x32xf32> to vector<32x32xbf16>
      %swap3A_473 = arith.constant 32 : index
      %swap3A_474 = arith.constant 64 : index
      %swap3A_475 = vector.load %arg24[%swap3A_473, %swap3A_474] : memref<128x256xbf16, #tpu.memory_space<vmem>>, vector<32x32xbf16>
      tpu.vector_store %arg24[%swap3A_473, %swap3A_474], %convert_element_type3A_472 {strides = array<i32>} : memref<128x256xbf16, #tpu.memory_space<vmem>>, vector<32x32xbf16>,
      %get3A_476 = arith.constant 64 : index
      %get3A_477 = arith.constant 0 : index
      %get3A_478 = vector.load %arg7[%get3A_476, %get3A_477] : memref<128x32xf32, #tpu.memory_space<vmem>>, vector<32x32xf32>
      %convert_element_type3A_479 = arith.truncf %get3A_478 : vector<32x32xf32> to vector<32x32xbf16>
      %swap3A_480 = arith.constant 32 : index
      %swap3A_481 = arith.constant 96 : index
      %swap3A_482 = vector.load %arg24[%swap3A_480, %swap3A_481] : memref<128x256xbf16, #tpu.memory_space<vmem>>, vector<32x32xbf16>
      tpu.vector_store %arg24[%swap3A_480, %swap3A_481], %convert_element_type3A_479 {strides = array<i32>} : memref<128x256xbf16, #tpu.memory_space<vmem>>, vector<32x32xbf16>,
      %get3A_483 = arith.constant 0 : index
      %get3A_484 = arith.constant 0 : index
      %get3A_485 = vector.load %arg8[%get3A_483, %get3A_484] : memref<32x32xf32, #tpu.memory_space<vmem>>, vector<32x32xf32>
      %convert_element_type3A_486 = arith.truncf %get3A_485 : vector<32x32xf32> to vector<32x32xbf16>
      %swap3A_487 = arith.constant 64 : index
      %swap3A_488 = arith.constant 32 : index
      %swap3A_489 = vector.load %arg25[%swap3A_487, %swap3A_488] : memref<256x256xbf16, #tpu.memory_space<vmem>>, vector<32x32xbf16>
      tpu.vector_store %arg25[%swap3A_487, %swap3A_488], %convert_element_type3A_486 {strides = array<i32>} : memref<256x256xbf16, #tpu.memory_space<vmem>>, vector<32x32xbf16>,
      %get3A_490 = arith.constant 0 : index
      %get3A_491 = arith.constant 0 : index
      %get3A_492 = vector.load %arg9[%get3A_490, %get3A_491] : memref<32x32xf32, #tpu.memory_space<vmem>>, vector<32x32xf32>
      %convert_element_type3A_493 = arith.truncf %get3A_492 : vector<32x32xf32> to vector<32x32xbf16>
      %swap3A_494 = arith.constant 96 : index
      %swap3A_495 = arith.constant 160 : index
      %swap3A_496 = vector.load %arg25[%swap3A_494, %swap3A_495] : memref<256x256xbf16, #tpu.memory_space<vmem>>, vector<32x32xbf16>
      tpu.vector_store %arg25[%swap3A_494, %swap3A_495], %convert_element_type3A_493 {strides = array<i32>} : memref<256x256xbf16, #tpu.memory_space<vmem>>, vector<32x32xbf16>,
      %get3A_497 = arith.constant 0 : index
      %get3A_498 = arith.constant 0 : index
      %get3A_499 = vector.load %arg12[%get3A_497, %get3A_498] : memref<32x32xf32, #tpu.memory_space<vmem>>, vector<32x32xf32>
      %convert_element_type3A_500 = arith.truncf %get3A_499 : vector<32x32xf32> to vector<32x32xbf16>
      %swap3A_501 = arith.constant 32 : index
      %swap3A_502 = arith.constant 32 : index
      %swap3A_503 = vector.load %arg26[%swap3A_501, %swap3A_502] : memref<128x256xbf16, #tpu.memory_space<vmem>>, vector<32x32xbf16>
      tpu.vector_store %arg26[%swap3A_501, %swap3A_502], %convert_element_type3A_500 {strides = array<i32>} : memref<128x256xbf16, #tpu.memory_space<vmem>>, vector<32x32xbf16>,
      %get3A_504 = arith.constant 0 : index
      %get3A_505 = arith.constant 0 : index
      %get3A_506 = vector.load %arg13[%get3A_504, %get3A_505] : memref<32x32xf32, #tpu.memory_space<vmem>>, vector<32x32xf32>
      %convert_element_type3A_507 = arith.truncf %get3A_506 : vector<32x32xf32> to vector<32x32xbf16>
      %swap3A_508 = arith.constant 32 : index
      %swap3A_509 = arith.constant 160 : index
      %swap3A_510 = vector.load %arg26[%swap3A_508, %swap3A_509] : memref<128x256xbf16, #tpu.memory_space<vmem>>, vector<32x32xbf16>
      tpu.vector_store %arg26[%swap3A_508, %swap3A_509], %convert_element_type3A_507 {strides = array<i32>} : memref<128x256xbf16, #tpu.memory_space<vmem>>, vector<32x32xbf16>,
      %get3A_511 = arith.constant 0 : index
      %get3A_512 = arith.constant 0 : index
      %get3A_513 = vector.load %arg14[%get3A_511, %get3A_512] : memref<32x96xf32, #tpu.memory_space<vmem>>, vector<32x32xf32>
      %convert_element_type3A_514 = arith.truncf %get3A_513 : vector<32x32xf32> to vector<32x32xbf16>
      %swap3A_515 = arith.constant 32 : index
      %swap3A_516 = arith.constant 32 : index
      %swap3A_517 = vector.load %arg27[%swap3A_515, %swap3A_516] : memref<256x256xbf16, #tpu.memory_space<vmem>>, vector<32x32xbf16>
      tpu.vector_store %arg27[%swap3A_515, %swap3A_516], %convert_element_type3A_514 {strides = array<i32>} : memref<256x256xbf16, #tpu.memory_space<vmem>>, vector<32x32xbf16>,
      %get3A_518 = arith.constant 0 : index
      %get3A_519 = arith.constant 32 : index
      %get3A_520 = vector.load %arg14[%get3A_518, %get3A_519] : memref<32x96xf32, #tpu.memory_space<vmem>>, vector<32x32xf32>
      %convert_element_type3A_521 = arith.truncf %get3A_520 : vector<32x32xf32> to vector<32x32xbf16>
      %swap3A_522 = arith.constant 32 : index
      %swap3A_523 = arith.constant 160 : index
      %swap3A_524 = vector.load %arg27[%swap3A_522, %swap3A_523] : memref<256x256xbf16, #tpu.memory_space<vmem>>, vector<32x32xbf16>
      tpu.vector_store %arg27[%swap3A_522, %swap3A_523], %convert_element_type3A_521 {strides = array<i32>} : memref<256x256xbf16, #tpu.memory_space<vmem>>, vector<32x32xbf16>,
      %get3A_525 = arith.constant 0 : index
      %get3A_526 = arith.constant 0 : index
      %get3A_527 = vector.load %arg15[%get3A_525, %get3A_526] : memref<32x96xf32, #tpu.memory_space<vmem>>, vector<32x32xf32>
      %convert_element_type3A_528 = arith.truncf %get3A_527 : vector<32x32xf32> to vector<32x32xbf16>
      %swap3A_529 = arith.constant 160 : index
      %swap3A_530 = arith.constant 32 : index
      %swap3A_531 = vector.load %arg27[%swap3A_529, %swap3A_530] : memref<256x256xbf16, #tpu.memory_space<vmem>>, vector<32x32xbf16>
      tpu.vector_store %arg27[%swap3A_529, %swap3A_530], %convert_element_type3A_528 {strides = array<i32>} : memref<256x256xbf16, #tpu.memory_space<vmem>>, vector<32x32xbf16>,
      %get3A_532 = arith.constant 0 : index
      %get3A_533 = arith.constant 32 : index
      %get3A_534 = vector.load %arg15[%get3A_532, %get3A_533] : memref<32x96xf32, #tpu.memory_space<vmem>>, vector<32x32xf32>
      %convert_element_type3A_535 = arith.truncf %get3A_534 : vector<32x32xf32> to vector<32x32xbf16>
      %swap3A_536 = arith.constant 160 : index
      %swap3A_537 = arith.constant 160 : index
      %swap3A_538 = vector.load %arg27[%swap3A_536, %swap3A_537] : memref<256x256xbf16, #tpu.memory_space<vmem>>, vector<32x32xbf16>
      tpu.vector_store %arg27[%swap3A_536, %swap3A_537], %convert_element_type3A_535 {strides = array<i32>} : memref<256x256xbf16, #tpu.memory_space<vmem>>, vector<32x32xbf16>,
      %get3A_539 = arith.constant 0 : index
      %get3A_540 = arith.constant 64 : index
      %get3A_541 = vector.load %arg14[%get3A_539, %get3A_540] : memref<32x96xf32, #tpu.memory_space<vmem>>, vector<32x32xf32>
      %convert_element_type3A_542 = arith.truncf %get3A_541 : vector<32x32xf32> to vector<32x32xbf16>
      %swap3A_543 = arith.constant 32 : index
      %swap3A_544 = arith.constant 32 : index
      %swap3A_545 = vector.load %arg28[%swap3A_543, %swap3A_544] : memref<128x128xbf16, #tpu.memory_space<vmem>>, vector<32x32xbf16>
      tpu.vector_store %arg28[%swap3A_543, %swap3A_544], %convert_element_type3A_542 {strides = array<i32>} : memref<128x128xbf16, #tpu.memory_space<vmem>>, vector<32x32xbf16>,
      %get3A_546 = arith.constant 0 : index
      %get3A_547 = arith.constant 64 : index
      %get3A_548 = vector.load %arg15[%get3A_546, %get3A_547] : memref<32x96xf32, #tpu.memory_space<vmem>>, vector<32x32xf32>
      %convert_element_type3A_549 = arith.truncf %get3A_548 : vector<32x32xf32> to vector<32x32xbf16>
      %swap3A_550 = arith.constant 32 : index
      %swap3A_551 = arith.constant 32 : index
      %swap3A_552 = vector.load %arg29[%swap3A_550, %swap3A_551] : memref<128x128xbf16, #tpu.memory_space<vmem>>, vector<32x32xbf16>
      tpu.vector_store %arg29[%swap3A_550, %swap3A_551], %convert_element_type3A_549 {strides = array<i32>} : memref<128x128xbf16, #tpu.memory_space<vmem>>, vector<32x32xbf16>,
      %get3A_553 = arith.constant 0 : index
      %get3A_554 = arith.constant 0 : index
      %get3A_555 = vector.load %arg10[%get3A_553, %get3A_554] : memref<64x32xf32, #tpu.memory_space<vmem>>, vector<32x32xf32>
      %swap3A_556 = arith.constant 32 : index
      %swap3A_557 = arith.constant 0 : index
      %swap3A_558 = vector.load %arg30[%swap3A_556, %swap3A_557] : memref<128x32xf32, #tpu.memory_space<vmem>>, vector<32x32xf32>
      tpu.vector_store %arg30[%swap3A_556, %swap3A_557], %get3A_555 {strides = array<i32>} : memref<128x32xf32, #tpu.memory_space<vmem>>, vector<32x32xf32>,
      %get3A_559 = arith.constant 0 : index
      %get3A_560 = arith.constant 0 : index
      %get3A_561 = vector.load %arg6[%get3A_559, %get3A_560] : memref<128x32xf32, #tpu.memory_space<vmem>>, vector<32x32xf32>
      %swap3A_562 = arith.constant 32 : index
      %swap3A_563 = arith.constant 0 : index
      %swap3A_564 = vector.load %arg31[%swap3A_562, %swap3A_563] : memref<128x64xf32, #tpu.memory_space<vmem>>, vector<32x32xf32>
      tpu.vector_store %arg31[%swap3A_562, %swap3A_563], %get3A_561 {strides = array<i32>} : memref<128x64xf32, #tpu.memory_space<vmem>>, vector<32x32xf32>,
      %get3A_565 = arith.constant 0 : index
      %get3A_566 = arith.constant 0 : index
      %get3A_567 = vector.load %arg7[%get3A_565, %get3A_566] : memref<128x32xf32, #tpu.memory_space<vmem>>, vector<32x32xf32>
      %swap3A_568 = arith.constant 32 : index
      %swap3A_569 = arith.constant 32 : index
      %swap3A_570 = vector.load %arg31[%swap3A_568, %swap3A_569] : memref<128x64xf32, #tpu.memory_space<vmem>>, vector<32x32xf32>
      tpu.vector_store %arg31[%swap3A_568, %swap3A_569], %get3A_567 {strides = array<i32>} : memref<128x64xf32, #tpu.memory_space<vmem>>, vector<32x32xf32>,
      %get3A_571 = arith.constant 0 : index
      %get3A_572 = arith.constant 0 : index
      %get3A_573 = vector.load %arg17[%get3A_571, %get3A_572] : memref<32x1xf32, #tpu.memory_space<vmem>>, vector<32x1xf32>
      %swap3A_574 = arith.constant 32 : index
      %swap3A_575 = arith.constant 0 : index
      %swap3A_576 = vector.load %arg33[%swap3A_574, %swap3A_575] : memref<128x1xf32, #tpu.memory_space<vmem>>, vector<32x1xf32>
      tpu.vector_store %arg33[%swap3A_574, %swap3A_575], %get3A_573 {strides = array<i32>} : memref<128x1xf32, #tpu.memory_space<vmem>>, vector<32x1xf32>,
      %get3A_577 = arith.constant 96 : index
      %get3A_578 = arith.constant 0 : index
      %get3A_579 = vector.load %arg6[%get3A_577, %get3A_578] : memref<128x32xf32, #tpu.memory_space<vmem>>, vector<32x32xf32>
      %swap3A_580 = arith.constant 64 : index
      %swap3A_581 = arith.constant 128 : index
      %swap3A_582 = vector.load %arg23[%swap3A_580, %swap3A_581] : memref<128x256xf32, #tpu.memory_space<vmem>>, vector<32x32xf32>
      tpu.vector_store %arg23[%swap3A_580, %swap3A_581], %get3A_579 {strides = array<i32>} : memref<128x256xf32, #tpu.memory_space<vmem>>, vector<32x32xf32>,
      %get3A_583 = arith.constant 96 : index
      %get3A_584 = arith.constant 0 : index
      %get3A_585 = vector.load %arg7[%get3A_583, %get3A_584] : memref<128x32xf32, #tpu.memory_space<vmem>>, vector<32x32xf32>
      %swap3A_586 = arith.constant 64 : index
      %swap3A_587 = arith.constant 160 : index
      %swap3A_588 = vector.load %arg23[%swap3A_586, %swap3A_587] : memref<128x256xf32, #tpu.memory_space<vmem>>, vector<32x32xf32>
      tpu.vector_store %arg23[%swap3A_586, %swap3A_587], %get3A_585 {strides = array<i32>} : memref<128x256xf32, #tpu.memory_space<vmem>>, vector<32x32xf32>,
      %get3A_589 = arith.constant 64 : index
      %get3A_590 = arith.constant 0 : index
      %get3A_591 = vector.load %arg6[%get3A_589, %get3A_590] : memref<128x32xf32, #tpu.memory_space<vmem>>, vector<32x32xf32>
      %convert_element_type3A_592 = arith.truncf %get3A_591 : vector<32x32xf32> to vector<32x32xbf16>
      %swap3A_593 = arith.constant 64 : index
      %swap3A_594 = arith.constant 128 : index
      %swap3A_595 = vector.load %arg24[%swap3A_593, %swap3A_594] : memref<128x256xbf16, #tpu.memory_space<vmem>>, vector<32x32xbf16>
      tpu.vector_store %arg24[%swap3A_593, %swap3A_594], %convert_element_type3A_592 {strides = array<i32>} : memref<128x256xbf16, #tpu.memory_space<vmem>>, vector<32x32xbf16>,
      %get3A_596 = arith.constant 64 : index
      %get3A_597 = arith.constant 0 : index
      %get3A_598 = vector.load %arg7[%get3A_596, %get3A_597] : memref<128x32xf32, #tpu.memory_space<vmem>>, vector<32x32xf32>
      %convert_element_type3A_599 = arith.truncf %get3A_598 : vector<32x32xf32> to vector<32x32xbf16>
      %swap3A_600 = arith.constant 64 : index
      %swap3A_601 = arith.constant 160 : index
      %swap3A_602 = vector.load %arg24[%swap3A_600, %swap3A_601] : memref<128x256xbf16, #tpu.memory_space<vmem>>, vector<32x32xbf16>
      tpu.vector_store %arg24[%swap3A_600, %swap3A_601], %convert_element_type3A_599 {strides = array<i32>} : memref<128x256xbf16, #tpu.memory_space<vmem>>, vector<32x32xbf16>,
      %get3A_603 = arith.constant 0 : index
      %get3A_604 = arith.constant 0 : index
      %get3A_605 = vector.load %arg8[%get3A_603, %get3A_604] : memref<32x32xf32, #tpu.memory_space<vmem>>, vector<32x32xf32>
      %convert_element_type3A_606 = arith.truncf %get3A_605 : vector<32x32xf32> to vector<32x32xbf16>
      %swap3A_607 = arith.constant 128 : index
      %swap3A_608 = arith.constant 64 : index
      %swap3A_609 = vector.load %arg25[%swap3A_607, %swap3A_608] : memref<256x256xbf16, #tpu.memory_space<vmem>>, vector<32x32xbf16>
      tpu.vector_store %arg25[%swap3A_607, %swap3A_608], %convert_element_type3A_606 {strides = array<i32>} : memref<256x256xbf16, #tpu.memory_space<vmem>>, vector<32x32xbf16>,
      %get3A_610 = arith.constant 0 : index
      %get3A_611 = arith.constant 0 : index
      %get3A_612 = vector.load %arg9[%get3A_610, %get3A_611] : memref<32x32xf32, #tpu.memory_space<vmem>>, vector<32x32xf32>
      %convert_element_type3A_613 = arith.truncf %get3A_612 : vector<32x32xf32> to vector<32x32xbf16>
      %swap3A_614 = arith.constant 160 : index
      %swap3A_615 = arith.constant 192 : index
      %swap3A_616 = vector.load %arg25[%swap3A_614, %swap3A_615] : memref<256x256xbf16, #tpu.memory_space<vmem>>, vector<32x32xbf16>
      tpu.vector_store %arg25[%swap3A_614, %swap3A_615], %convert_element_type3A_613 {strides = array<i32>} : memref<256x256xbf16, #tpu.memory_space<vmem>>, vector<32x32xbf16>,
      %get3A_617 = arith.constant 0 : index
      %get3A_618 = arith.constant 0 : index
      %get3A_619 = vector.load %arg12[%get3A_617, %get3A_618] : memref<32x32xf32, #tpu.memory_space<vmem>>, vector<32x32xf32>
      %convert_element_type3A_620 = arith.truncf %get3A_619 : vector<32x32xf32> to vector<32x32xbf16>
      %swap3A_621 = arith.constant 64 : index
      %swap3A_622 = arith.constant 64 : index
      %swap3A_623 = vector.load %arg26[%swap3A_621, %swap3A_622] : memref<128x256xbf16, #tpu.memory_space<vmem>>, vector<32x32xbf16>
      tpu.vector_store %arg26[%swap3A_621, %swap3A_622], %convert_element_type3A_620 {strides = array<i32>} : memref<128x256xbf16, #tpu.memory_space<vmem>>, vector<32x32xbf16>,
      %get3A_624 = arith.constant 0 : index
      %get3A_625 = arith.constant 0 : index
      %get3A_626 = vector.load %arg13[%get3A_624, %get3A_625] : memref<32x32xf32, #tpu.memory_space<vmem>>, vector<32x32xf32>
      %convert_element_type3A_627 = arith.truncf %get3A_626 : vector<32x32xf32> to vector<32x32xbf16>
      %swap3A_628 = arith.constant 64 : index
      %swap3A_629 = arith.constant 192 : index
      %swap3A_630 = vector.load %arg26[%swap3A_628, %swap3A_629] : memref<128x256xbf16, #tpu.memory_space<vmem>>, vector<32x32xbf16>
      tpu.vector_store %arg26[%swap3A_628, %swap3A_629], %convert_element_type3A_627 {strides = array<i32>} : memref<128x256xbf16, #tpu.memory_space<vmem>>, vector<32x32xbf16>,
      %get3A_631 = arith.constant 0 : index
      %get3A_632 = arith.constant 0 : index
      %get3A_633 = vector.load %arg14[%get3A_631, %get3A_632] : memref<32x96xf32, #tpu.memory_space<vmem>>, vector<32x32xf32>
      %convert_element_type3A_634 = arith.truncf %get3A_633 : vector<32x32xf32> to vector<32x32xbf16>
      %swap3A_635 = arith.constant 64 : index
      %swap3A_636 = arith.constant 64 : index
      %swap3A_637 = vector.load %arg27[%swap3A_635, %swap3A_636] : memref<256x256xbf16, #tpu.memory_space<vmem>>, vector<32x32xbf16>
      tpu.vector_store %arg27[%swap3A_635, %swap3A_636], %convert_element_type3A_634 {strides = array<i32>} : memref<256x256xbf16, #tpu.memory_space<vmem>>, vector<32x32xbf16>,
      %get3A_638 = arith.constant 0 : index
      %get3A_639 = arith.constant 32 : index
      %get3A_640 = vector.load %arg14[%get3A_638, %get3A_639] : memref<32x96xf32, #tpu.memory_space<vmem>>, vector<32x32xf32>
      %convert_element_type3A_641 = arith.truncf %get3A_640 : vector<32x32xf32> to vector<32x32xbf16>
      %swap3A_642 = arith.constant 64 : index
      %swap3A_643 = arith.constant 192 : index
      %swap3A_644 = vector.load %arg27[%swap3A_642, %swap3A_643] : memref<256x256xbf16, #tpu.memory_space<vmem>>, vector<32x32xbf16>
      tpu.vector_store %arg27[%swap3A_642, %swap3A_643], %convert_element_type3A_641 {strides = array<i32>} : memref<256x256xbf16, #tpu.memory_space<vmem>>, vector<32x32xbf16>,
      %get3A_645 = arith.constant 0 : index
      %get3A_646 = arith.constant 0 : index
      %get3A_647 = vector.load %arg15[%get3A_645, %get3A_646] : memref<32x96xf32, #tpu.memory_space<vmem>>, vector<32x32xf32>
      %convert_element_type3A_648 = arith.truncf %get3A_647 : vector<32x32xf32> to vector<32x32xbf16>
      %swap3A_649 = arith.constant 192 : index
      %swap3A_650 = arith.constant 64 : index
      %swap3A_651 = vector.load %arg27[%swap3A_649, %swap3A_650] : memref<256x256xbf16, #tpu.memory_space<vmem>>, vector<32x32xbf16>
      tpu.vector_store %arg27[%swap3A_649, %swap3A_650], %convert_element_type3A_648 {strides = array<i32>} : memref<256x256xbf16, #tpu.memory_space<vmem>>, vector<32x32xbf16>,
      %get3A_652 = arith.constant 0 : index
      %get3A_653 = arith.constant 32 : index
      %get3A_654 = vector.load %arg15[%get3A_652, %get3A_653] : memref<32x96xf32, #tpu.memory_space<vmem>>, vector<32x32xf32>
      %convert_element_type3A_655 = arith.truncf %get3A_654 : vector<32x32xf32> to vector<32x32xbf16>
      %swap3A_656 = arith.constant 192 : index
      %swap3A_657 = arith.constant 192 : index
      %swap3A_658 = vector.load %arg27[%swap3A_656, %swap3A_657] : memref<256x256xbf16, #tpu.memory_space<vmem>>, vector<32x32xbf16>
      tpu.vector_store %arg27[%swap3A_656, %swap3A_657], %convert_element_type3A_655 {strides = array<i32>} : memref<256x256xbf16, #tpu.memory_space<vmem>>, vector<32x32xbf16>,
      %get3A_659 = arith.constant 0 : index
      %get3A_660 = arith.constant 64 : index
      %get3A_661 = vector.load %arg14[%get3A_659, %get3A_660] : memref<32x96xf32, #tpu.memory_space<vmem>>, vector<32x32xf32>
      %convert_element_type3A_662 = arith.truncf %get3A_661 : vector<32x32xf32> to vector<32x32xbf16>
      %swap3A_663 = arith.constant 64 : index
      %swap3A_664 = arith.constant 64 : index
      %swap3A_665 = vector.load %arg28[%swap3A_663, %swap3A_664] : memref<128x128xbf16, #tpu.memory_space<vmem>>, vector<32x32xbf16>
      tpu.vector_store %arg28[%swap3A_663, %swap3A_664], %convert_element_type3A_662 {strides = array<i32>} : memref<128x128xbf16, #tpu.memory_space<vmem>>, vector<32x32xbf16>,
      %get3A_666 = arith.constant 0 : index
      %get3A_667 = arith.constant 64 : index
      %get3A_668 = vector.load %arg15[%get3A_666, %get3A_667] : memref<32x96xf32, #tpu.memory_space<vmem>>, vector<32x32xf32>
      %convert_element_type3A_669 = arith.truncf %get3A_668 : vector<32x32xf32> to vector<32x32xbf16>
      %swap3A_670 = arith.constant 64 : index
      %swap3A_671 = arith.constant 64 : index
      %swap3A_672 = vector.load %arg29[%swap3A_670, %swap3A_671] : memref<128x128xbf16, #tpu.memory_space<vmem>>, vector<32x32xbf16>
      tpu.vector_store %arg29[%swap3A_670, %swap3A_671], %convert_element_type3A_669 {strides = array<i32>} : memref<128x128xbf16, #tpu.memory_space<vmem>>, vector<32x32xbf16>,
      %get3A_673 = arith.constant 0 : index
      %get3A_674 = arith.constant 0 : index
      %get3A_675 = vector.load %arg10[%get3A_673, %get3A_674] : memref<64x32xf32, #tpu.memory_space<vmem>>, vector<32x32xf32>
      %swap3A_676 = arith.constant 64 : index
      %swap3A_677 = arith.constant 0 : index
      %swap3A_678 = vector.load %arg30[%swap3A_676, %swap3A_677] : memref<128x32xf32, #tpu.memory_space<vmem>>, vector<32x32xf32>
      tpu.vector_store %arg30[%swap3A_676, %swap3A_677], %get3A_675 {strides = array<i32>} : memref<128x32xf32, #tpu.memory_space<vmem>>, vector<32x32xf32>,
      %get3A_679 = arith.constant 0 : index
      %get3A_680 = arith.constant 0 : index
      %get3A_681 = vector.load %arg6[%get3A_679, %get3A_680] : memref<128x32xf32, #tpu.memory_space<vmem>>, vector<32x32xf32>
      %swap3A_682 = arith.constant 64 : index
      %swap3A_683 = arith.constant 0 : index
      %swap3A_684 = vector.load %arg31[%swap3A_682, %swap3A_683] : memref<128x64xf32, #tpu.memory_space<vmem>>, vector<32x32xf32>
      tpu.vector_store %arg31[%swap3A_682, %swap3A_683], %get3A_681 {strides = array<i32>} : memref<128x64xf32, #tpu.memory_space<vmem>>, vector<32x32xf32>,
      %get3A_685 = arith.constant 0 : index
      %get3A_686 = arith.constant 0 : index
      %get3A_687 = vector.load %arg7[%get3A_685, %get3A_686] : memref<128x32xf32, #tpu.memory_space<vmem>>, vector<32x32xf32>
      %swap3A_688 = arith.constant 64 : index
      %swap3A_689 = arith.constant 32 : index
      %swap3A_690 = vector.load %arg31[%swap3A_688, %swap3A_689] : memref<128x64xf32, #tpu.memory_space<vmem>>, vector<32x32xf32>
      tpu.vector_store %arg31[%swap3A_688, %swap3A_689], %get3A_687 {strides = array<i32>} : memref<128x64xf32, #tpu.memory_space<vmem>>, vector<32x32xf32>,
      %get3A_691 = arith.constant 0 : index
      %get3A_692 = arith.constant 0 : index
      %get3A_693 = vector.load %arg17[%get3A_691, %get3A_692] : memref<32x1xf32, #tpu.memory_space<vmem>>, vector<32x1xf32>
      %swap3A_694 = arith.constant 64 : index
      %swap3A_695 = arith.constant 0 : index
      %swap3A_696 = vector.load %arg33[%swap3A_694, %swap3A_695] : memref<128x1xf32, #tpu.memory_space<vmem>>, vector<32x1xf32>
      tpu.vector_store %arg33[%swap3A_694, %swap3A_695], %get3A_693 {strides = array<i32>} : memref<128x1xf32, #tpu.memory_space<vmem>>, vector<32x1xf32>,
      %get3A_697 = arith.constant 96 : index
      %get3A_698 = arith.constant 0 : index
      %get3A_699 = vector.load %arg6[%get3A_697, %get3A_698] : memref<128x32xf32, #tpu.memory_space<vmem>>, vector<32x32xf32>
      %swap3A_700 = arith.constant 96 : index
      %swap3A_701 = arith.constant 192 : index
      %swap3A_702 = vector.load %arg23[%swap3A_700, %swap3A_701] : memref<128x256xf32, #tpu.memory_space<vmem>>, vector<32x32xf32>
      tpu.vector_store %arg23[%swap3A_700, %swap3A_701], %get3A_699 {strides = array<i32>} : memref<128x256xf32, #tpu.memory_space<vmem>>, vector<32x32xf32>,
      %get3A_703 = arith.constant 96 : index
      %get3A_704 = arith.constant 0 : index
      %get3A_705 = vector.load %arg7[%get3A_703, %get3A_704] : memref<128x32xf32, #tpu.memory_space<vmem>>, vector<32x32xf32>
      %swap3A_706 = arith.constant 96 : index
      %swap3A_707 = arith.constant 224 : index
      %swap3A_708 = vector.load %arg23[%swap3A_706, %swap3A_707] : memref<128x256xf32, #tpu.memory_space<vmem>>, vector<32x32xf32>
      tpu.vector_store %arg23[%swap3A_706, %swap3A_707], %get3A_705 {strides = array<i32>} : memref<128x256xf32, #tpu.memory_space<vmem>>, vector<32x32xf32>,
      %get3A_709 = arith.constant 64 : index
      %get3A_710 = arith.constant 0 : index
      %get3A_711 = vector.load %arg6[%get3A_709, %get3A_710] : memref<128x32xf32, #tpu.memory_space<vmem>>, vector<32x32xf32>
      %convert_element_type3A_712 = arith.truncf %get3A_711 : vector<32x32xf32> to vector<32x32xbf16>
      %swap3A_713 = arith.constant 96 : index
      %swap3A_714 = arith.constant 192 : index
      %swap3A_715 = vector.load %arg24[%swap3A_713, %swap3A_714] : memref<128x256xbf16, #tpu.memory_space<vmem>>, vector<32x32xbf16>
      tpu.vector_store %arg24[%swap3A_713, %swap3A_714], %convert_element_type3A_712 {strides = array<i32>} : memref<128x256xbf16, #tpu.memory_space<vmem>>, vector<32x32xbf16>,
      %get3A_716 = arith.constant 64 : index
      %get3A_717 = arith.constant 0 : index
      %get3A_718 = vector.load %arg7[%get3A_716, %get3A_717] : memref<128x32xf32, #tpu.memory_space<vmem>>, vector<32x32xf32>
      %convert_element_type3A_719 = arith.truncf %get3A_718 : vector<32x32xf32> to vector<32x32xbf16>
      %swap3A_720 = arith.constant 96 : index
      %swap3A_721 = arith.constant 224 : index
      %swap3A_722 = vector.load %arg24[%swap3A_720, %swap3A_721] : memref<128x256xbf16, #tpu.memory_space<vmem>>, vector<32x32xbf16>
      tpu.vector_store %arg24[%swap3A_720, %swap3A_721], %convert_element_type3A_719 {strides = array<i32>} : memref<128x256xbf16, #tpu.memory_space<vmem>>, vector<32x32xbf16>,
      %get3A_723 = arith.constant 0 : index
      %get3A_724 = arith.constant 0 : index
      %get3A_725 = vector.load %arg8[%get3A_723, %get3A_724] : memref<32x32xf32, #tpu.memory_space<vmem>>, vector<32x32xf32>
      %convert_element_type3A_726 = arith.truncf %get3A_725 : vector<32x32xf32> to vector<32x32xbf16>
      %swap3A_727 = arith.constant 192 : index
      %swap3A_728 = arith.constant 96 : index
      %swap3A_729 = vector.load %arg25[%swap3A_727, %swap3A_728] : memref<256x256xbf16, #tpu.memory_space<vmem>>, vector<32x32xbf16>
      tpu.vector_store %arg25[%swap3A_727, %swap3A_728], %convert_element_type3A_726 {strides = array<i32>} : memref<256x256xbf16, #tpu.memory_space<vmem>>, vector<32x32xbf16>,
      %get3A_730 = arith.constant 0 : index
      %get3A_731 = arith.constant 0 : index
      %get3A_732 = vector.load %arg9[%get3A_730, %get3A_731] : memref<32x32xf32, #tpu.memory_space<vmem>>, vector<32x32xf32>
      %convert_element_type3A_733 = arith.truncf %get3A_732 : vector<32x32xf32> to vector<32x32xbf16>
      %swap3A_734 = arith.constant 224 : index
      %swap3A_735 = arith.constant 224 : index
      %swap3A_736 = vector.load %arg25[%swap3A_734, %swap3A_735] : memref<256x256xbf16, #tpu.memory_space<vmem>>, vector<32x32xbf16>
      tpu.vector_store %arg25[%swap3A_734, %swap3A_735], %convert_element_type3A_733 {strides = array<i32>} : memref<256x256xbf16, #tpu.memory_space<vmem>>, vector<32x32xbf16>,
      %get3A_737 = arith.constant 0 : index
      %get3A_738 = arith.constant 0 : index
      %get3A_739 = vector.load %arg12[%get3A_737, %get3A_738] : memref<32x32xf32, #tpu.memory_space<vmem>>, vector<32x32xf32>
      %convert_element_type3A_740 = arith.truncf %get3A_739 : vector<32x32xf32> to vector<32x32xbf16>
      %swap3A_741 = arith.constant 96 : index
      %swap3A_742 = arith.constant 96 : index
      %swap3A_743 = vector.load %arg26[%swap3A_741, %swap3A_742] : memref<128x256xbf16, #tpu.memory_space<vmem>>, vector<32x32xbf16>
      tpu.vector_store %arg26[%swap3A_741, %swap3A_742], %convert_element_type3A_740 {strides = array<i32>} : memref<128x256xbf16, #tpu.memory_space<vmem>>, vector<32x32xbf16>,
      %get3A_744 = arith.constant 0 : index
      %get3A_745 = arith.constant 0 : index
      %get3A_746 = vector.load %arg13[%get3A_744, %get3A_745] : memref<32x32xf32, #tpu.memory_space<vmem>>, vector<32x32xf32>
      %convert_element_type3A_747 = arith.truncf %get3A_746 : vector<32x32xf32> to vector<32x32xbf16>
      %swap3A_748 = arith.constant 96 : index
      %swap3A_749 = arith.constant 224 : index
      %swap3A_750 = vector.load %arg26[%swap3A_748, %swap3A_749] : memref<128x256xbf16, #tpu.memory_space<vmem>>, vector<32x32xbf16>
      tpu.vector_store %arg26[%swap3A_748, %swap3A_749], %convert_element_type3A_747 {strides = array<i32>} : memref<128x256xbf16, #tpu.memory_space<vmem>>, vector<32x32xbf16>,
      %get3A_751 = arith.constant 0 : index
      %get3A_752 = arith.constant 0 : index
      %get3A_753 = vector.load %arg14[%get3A_751, %get3A_752] : memref<32x96xf32, #tpu.memory_space<vmem>>, vector<32x32xf32>
      %convert_element_type3A_754 = arith.truncf %get3A_753 : vector<32x32xf32> to vector<32x32xbf16>
      %swap3A_755 = arith.constant 96 : index
      %swap3A_756 = arith.constant 96 : index
      %swap3A_757 = vector.load %arg27[%swap3A_755, %swap3A_756] : memref<256x256xbf16, #tpu.memory_space<vmem>>, vector<32x32xbf16>
      tpu.vector_store %arg27[%swap3A_755, %swap3A_756], %convert_element_type3A_754 {strides = array<i32>} : memref<256x256xbf16, #tpu.memory_space<vmem>>, vector<32x32xbf16>,
      %get3A_758 = arith.constant 0 : index
      %get3A_759 = arith.constant 32 : index
      %get3A_760 = vector.load %arg14[%get3A_758, %get3A_759] : memref<32x96xf32, #tpu.memory_space<vmem>>, vector<32x32xf32>
      %convert_element_type3A_761 = arith.truncf %get3A_760 : vector<32x32xf32> to vector<32x32xbf16>
      %swap3A_762 = arith.constant 96 : index
      %swap3A_763 = arith.constant 224 : index
      %swap3A_764 = vector.load %arg27[%swap3A_762, %swap3A_763] : memref<256x256xbf16, #tpu.memory_space<vmem>>, vector<32x32xbf16>
      tpu.vector_store %arg27[%swap3A_762, %swap3A_763], %convert_element_type3A_761 {strides = array<i32>} : memref<256x256xbf16, #tpu.memory_space<vmem>>, vector<32x32xbf16>,
      %get3A_765 = arith.constant 0 : index
      %get3A_766 = arith.constant 0 : index
      %get3A_767 = vector.load %arg15[%get3A_765, %get3A_766] : memref<32x96xf32, #tpu.memory_space<vmem>>, vector<32x32xf32>
      %convert_element_type3A_768 = arith.truncf %get3A_767 : vector<32x32xf32> to vector<32x32xbf16>
      %swap3A_769 = arith.constant 224 : index
      %swap3A_770 = arith.constant 96 : index
      %swap3A_771 = vector.load %arg27[%swap3A_769, %swap3A_770] : memref<256x256xbf16, #tpu.memory_space<vmem>>, vector<32x32xbf16>
      tpu.vector_store %arg27[%swap3A_769, %swap3A_770], %convert_element_type3A_768 {strides = array<i32>} : memref<256x256xbf16, #tpu.memory_space<vmem>>, vector<32x32xbf16>,
      %get3A_772 = arith.constant 0 : index
      %get3A_773 = arith.constant 32 : index
      %get3A_774 = vector.load %arg15[%get3A_772, %get3A_773] : memref<32x96xf32, #tpu.memory_space<vmem>>, vector<32x32xf32>
      %convert_element_type3A_775 = arith.truncf %get3A_774 : vector<32x32xf32> to vector<32x32xbf16>
      %swap3A_776 = arith.constant 224 : index
      %swap3A_777 = arith.constant 224 : index
      %swap3A_778 = vector.load %arg27[%swap3A_776, %swap3A_777] : memref<256x256xbf16, #tpu.memory_space<vmem>>, vector<32x32xbf16>
      tpu.vector_store %arg27[%swap3A_776, %swap3A_777], %convert_element_type3A_775 {strides = array<i32>} : memref<256x256xbf16, #tpu.memory_space<vmem>>, vector<32x32xbf16>,
      %get3A_779 = arith.constant 0 : index
      %get3A_780 = arith.constant 64 : index
      %get3A_781 = vector.load %arg14[%get3A_779, %get3A_780] : memref<32x96xf32, #tpu.memory_space<vmem>>, vector<32x32xf32>
      %convert_element_type3A_782 = arith.truncf %get3A_781 : vector<32x32xf32> to vector<32x32xbf16>
      %swap3A_783 = arith.constant 96 : index
      %swap3A_784 = arith.constant 96 : index
      %swap3A_785 = vector.load %arg28[%swap3A_783, %swap3A_784] : memref<128x128xbf16, #tpu.memory_space<vmem>>, vector<32x32xbf16>
      tpu.vector_store %arg28[%swap3A_783, %swap3A_784], %convert_element_type3A_782 {strides = array<i32>} : memref<128x128xbf16, #tpu.memory_space<vmem>>, vector<32x32xbf16>,
      %get3A_786 = arith.constant 0 : index
      %get3A_787 = arith.constant 64 : index
      %get3A_788 = vector.load %arg15[%get3A_786, %get3A_787] : memref<32x96xf32, #tpu.memory_space<vmem>>, vector<32x32xf32>
      %convert_element_type3A_789 = arith.truncf %get3A_788 : vector<32x32xf32> to vector<32x32xbf16>
      %swap3A_790 = arith.constant 96 : index
      %swap3A_791 = arith.constant 96 : index
      %swap3A_792 = vector.load %arg29[%swap3A_790, %swap3A_791] : memref<128x128xbf16, #tpu.memory_space<vmem>>, vector<32x32xbf16>
      tpu.vector_store %arg29[%swap3A_790, %swap3A_791], %convert_element_type3A_789 {strides = array<i32>} : memref<128x128xbf16, #tpu.memory_space<vmem>>, vector<32x32xbf16>,
      %get3A_793 = arith.constant 0 : index
      %get3A_794 = arith.constant 0 : index
      %get3A_795 = vector.load %arg10[%get3A_793, %get3A_794] : memref<64x32xf32, #tpu.memory_space<vmem>>, vector<32x32xf32>
      %swap3A_796 = arith.constant 96 : index
      %swap3A_797 = arith.constant 0 : index
      %swap3A_798 = vector.load %arg30[%swap3A_796, %swap3A_797] : memref<128x32xf32, #tpu.memory_space<vmem>>, vector<32x32xf32>
      tpu.vector_store %arg30[%swap3A_796, %swap3A_797], %get3A_795 {strides = array<i32>} : memref<128x32xf32, #tpu.memory_space<vmem>>, vector<32x32xf32>,
      %get3A_799 = arith.constant 0 : index
      %get3A_800 = arith.constant 0 : index
      %get3A_801 = vector.load %arg6[%get3A_799, %get3A_800] : memref<128x32xf32, #tpu.memory_space<vmem>>, vector<32x32xf32>
      %swap3A_802 = arith.constant 96 : index
      %swap3A_803 = arith.constant 0 : index
      %swap3A_804 = vector.load %arg31[%swap3A_802, %swap3A_803] : memref<128x64xf32, #tpu.memory_space<vmem>>, vector<32x32xf32>
      tpu.vector_store %arg31[%swap3A_802, %swap3A_803], %get3A_801 {strides = array<i32>} : memref<128x64xf32, #tpu.memory_space<vmem>>, vector<32x32xf32>,
      %get3A_805 = arith.constant 0 : index
      %get3A_806 = arith.constant 0 : index
      %get3A_807 = vector.load %arg7[%get3A_805, %get3A_806] : memref<128x32xf32, #tpu.memory_space<vmem>>, vector<32x32xf32>
      %swap3A_808 = arith.constant 96 : index
      %swap3A_809 = arith.constant 32 : index
      %swap3A_810 = vector.load %arg31[%swap3A_808, %swap3A_809] : memref<128x64xf32, #tpu.memory_space<vmem>>, vector<32x32xf32>
      tpu.vector_store %arg31[%swap3A_808, %swap3A_809], %get3A_807 {strides = array<i32>} : memref<128x64xf32, #tpu.memory_space<vmem>>, vector<32x32xf32>,
      %get3A_811 = arith.constant 0 : index
      %get3A_812 = arith.constant 0 : index
      %get3A_813 = vector.load %arg17[%get3A_811, %get3A_812] : memref<32x1xf32, #tpu.memory_space<vmem>>, vector<32x1xf32>
      %swap3A_814 = arith.constant 96 : index
      %swap3A_815 = arith.constant 0 : index
      %swap3A_816 = vector.load %arg33[%swap3A_814, %swap3A_815] : memref<128x1xf32, #tpu.memory_space<vmem>>, vector<32x1xf32>
      tpu.vector_store %arg33[%swap3A_814, %swap3A_815], %get3A_813 {strides = array<i32>} : memref<128x1xf32, #tpu.memory_space<vmem>>, vector<32x1xf32>,
      %get3A_817 = arith.constant 32 : index
      %get3A_818 = arith.constant 0 : index
      %get3A_819 = vector.load %arg6[%get3A_817, %get3A_818] : memref<128x32xf32, #tpu.memory_space<vmem>>, vector<32x32xf32>
      %swap3A_820 = arith.constant 0 : index
      %swap3A_821 = arith.constant 0 : index
      %swap3A_822 = vector.load %arg32[%swap3A_820, %swap3A_821] : memref<32x64xf32, #tpu.memory_space<vmem>>, vector<32x32xf32>
      tpu.vector_store %arg32[%swap3A_820, %swap3A_821], %get3A_819 {strides = array<i32>} : memref<32x64xf32, #tpu.memory_space<vmem>>, vector<32x32xf32>,
      %get3A_823 = arith.constant 32 : index
      %get3A_824 = arith.constant 0 : index
      %get3A_825 = vector.load %arg7[%get3A_823, %get3A_824] : memref<128x32xf32, #tpu.memory_space<vmem>>, vector<32x32xf32>
      %swap3A_826 = arith.constant 0 : index
      %swap3A_827 = arith.constant 32 : index
      %swap3A_828 = vector.load %arg32[%swap3A_826, %swap3A_827] : memref<32x64xf32, #tpu.memory_space<vmem>>, vector<32x32xf32>
      tpu.vector_store %arg32[%swap3A_826, %swap3A_827], %get3A_825 {strides = array<i32>} : memref<32x64xf32, #tpu.memory_space<vmem>>, vector<32x32xf32>,
      %get3A_829 = arith.constant 0 : index
      %get3A_830 = arith.constant 0 : index
      %get3A_831 = vector.load %arg16[%get3A_829, %get3A_830] : memref<128x4xf32, #tpu.memory_space<vmem>>, vector<128x4xf32>
      %get3A_832 = arith.constant 0 : index
      %get3A_833 = arith.constant 0 : index
      %get3A_834 = vector.load %arg19[%get3A_832, %get3A_833] : memref<8x256xf32, #tpu.memory_space<vmem>>, vector<4x128xf32>
      %dot_general3A_835 = arith.constant dense<0.000000e+00> : vector<128x128xf32>
      %dot_general3A_836 = tpu.matmul %get3A_831, %get3A_834, %dot_general3A_835 {dimension_numbers = #tpu.dot_dimension_numbers<[1], [0], [0], [1], [0, 0, 1, 1], [], []>, transpose_lhs_hint = false} : vector<128x4xf32>, vector<4x128xf32>, vector<128x128xf32> -> vector<128x128xf32>
      %swap3A_837 = arith.constant 0 : index
      %swap3A_838 = arith.constant 0 : index
      %swap3A_839 = vector.load %arg34[%swap3A_837, %swap3A_838] : memref<128x128xf32, #tpu.memory_space<vmem>>, vector<128x128xf32>
      tpu.vector_store %arg34[%swap3A_837, %swap3A_838], %dot_general3A_836 {strides = array<i32>} : memref<128x128xf32, #tpu.memory_space<vmem>>, vector<128x128xf32>,
      %get3A_840 = arith.constant 0 : index
      %get3A_841 = arith.constant 0 : index
      %get3A_842 = vector.load %arg5[%get3A_840, %get3A_841] : memref<128x128xf32, #tpu.memory_space<vmem>>, vector<128x128xf32>
      %get3A_843 = arith.constant 0 : index
      %get3A_844 = arith.constant 0 : index
      %get3A_845 = vector.load %arg23[%get3A_843, %get3A_844] : memref<128x256xf32, #tpu.memory_space<vmem>>, vector<128x256xf32>
      %dot_general3A_846 = arith.constant dense<0.000000e+00> : vector<128x256xf32>
      %dot_general3A_847 = tpu.matmul %get3A_842, %get3A_845, %dot_general3A_846 {dimension_numbers = #tpu.dot_dimension_numbers<[1], [0], [0], [1], [0, 0, 1, 1], [], []>, transpose_lhs_hint = false} : vector<128x128xf32>, vector<128x256xf32>, vector<128x256xf32> -> vector<128x256xf32>
      %get3A_848 = arith.constant 0 : index
      %get3A_849 = arith.constant 0 : index
      %get3A_850 = vector.load %arg18[%get3A_848, %get3A_849] : memref<1x2048xf32, #tpu.memory_space<vmem>>, vector<1x256xf32>
      %add3A_851 = vector.broadcast %get3A_850 : vector<1x256xf32> to vector<128x256xf32>
      %add3A_852 = arith.addf %dot_general3A_847, %add3A_851 : vector<128x256xf32>
      %swap3A_853 = arith.constant 0 : index
      %swap3A_854 = arith.constant 0 : index
      %swap3A_855 = vector.load %arg22[%swap3A_853, %swap3A_854] : memref<128x256xf32, #tpu.memory_space<vmem>>, vector<128x256xf32>
      tpu.vector_store %arg22[%swap3A_853, %swap3A_854], %add3A_852 {strides = array<i32>} : memref<128x256xf32, #tpu.memory_space<vmem>>, vector<128x256xf32>,
    } else {
    }
    %get3A = arith.constant 0 : index
    %get3A_2 = arith.constant 0 : index
    %get3A_3 = arith.constant 0 : index
    %get3A_4 = vector.load %arg21[%get3A, %get3A_2, %get3A_3] : memref<64x128x128xf32, #tpu.memory_space<vmem>>, vector<64x128x128xf32>
    %reshape3A = vector.shape_cast %get3A_4 : vector<64x128x128xf32> to vector<8192x128xf32>
    %convert_element_type3A_5 = arith.truncf %reshape3A : vector<8192x128xf32> to vector<8192x128xbf16>
    %get3A_6 = arith.constant 0 : index
    %get3A_7 = arith.constant 0 : index
    %get3A_8 = arith.constant 0 : index
    %get3A_9 = vector.load %arg3[%get3A_6, %get3A_7, %get3A_8] : memref<1x64x1xi32, #tpu.memory_space<vmem>>, vector<1x64x1xi32>
    %get3A_10 = vector.shape_cast %get3A_9 : vector<1x64x1xi32> to vector<64x1xi32>
    %iota3A = tpu.iota {dimensions = array<i32: 1>} : vector<128x128xi32>
    %iota3A_11 = tpu.iota {dimensions = array<i32: 0>} : vector<128x128xi32>
    %mul3A = arith.constant 4 : i32
    %mul3A_12 = vector.broadcast %mul3A : i32 to vector<128x128xi32>
    %mul3A_13 = arith.muli %iota3A_11, %mul3A_12 : vector<128x128xi32>
    %jit3A = arith.constant 32 : i32
    %div3A = vector.broadcast %jit3A : i32 to vector<128x128xi32>
    %div3A_14 = arith.divsi %iota3A, %div3A : vector<128x128xi32>
    %sign3A = arith.constant 0 : i32
    %sign3A_15 = vector.broadcast %sign3A : i32 to vector<128x128xi32>
    %sign3A_16 = arith.cmpi sgt, %iota3A, %sign3A_15 : vector<128x128xi32>
    %sign3A_17 = arith.extui %sign3A_16 : vector<128x128xi1> to vector<128x128xi32>
    %sign3A_18 = arith.constant 0 : i32
    %sign3A_19 = vector.broadcast %sign3A_18 : i32 to vector<128x128xi32>
    %sign3A_20 = arith.cmpi slt, %iota3A, %sign3A_19 : vector<128x128xi32>
    %sign3A_21 = arith.extui %sign3A_20 : vector<128x128xi1> to vector<128x128xi32>
    %sign3A_22 = arith.subi %sign3A_17, %sign3A_21 : vector<128x128xi32>
    %sign3A_23 = arith.constant 0 : i32
    %sign3A_24 = arith.cmpi sgt, %jit3A, %sign3A_23 : i32
    %sign3A_25 = arith.extui %sign3A_24 : i1 to i32
    %sign3A_26 = arith.constant 0 : i32
    %sign3A_27 = arith.cmpi slt, %jit3A, %sign3A_26 : i32
    %sign3A_28 = arith.extui %sign3A_27 : i1 to i32
    %sign3A_29 = arith.subi %sign3A_25, %sign3A_28 : i32
    %ne3A = vector.broadcast %sign3A_29 : i32 to vector<128x128xi32>
    %ne3A_30 = arith.cmpi ne, %sign3A_22, %ne3A : vector<128x128xi32>
    %rem3A = vector.broadcast %jit3A : i32 to vector<128x128xi32>
    %rem3A_31 = arith.remsi %iota3A, %rem3A : vector<128x128xi32>
    %ne3A_32 = arith.constant 0 : i32
    %ne3A_33 = vector.broadcast %ne3A_32 : i32 to vector<128x128xi32>
    %ne3A_34 = arith.cmpi ne, %rem3A_31, %ne3A_33 : vector<128x128xi32>
    %and3A = arith.andi %ne3A_30, %ne3A_34 : vector<128x128xi1>
    %sub3A = arith.constant 1 : i32
    %sub3A_35 = vector.broadcast %sub3A : i32 to vector<128x128xi32>
    %sub3A_36 = arith.subi %div3A_14, %sub3A_35 : vector<128x128xi32>
    %select_n3A = arith.select %and3A, %sub3A_36, %div3A_14 : vector<128x128xi1>, vector<128x128xi32>
    %add3A = arith.addi %mul3A_13, %select_n3A : vector<128x128xi32>
    %broadcast_in_dim3A = vector.shape_cast %add3A : vector<128x128xi32> to vector<1x128x128xi32>
    %broadcast_in_dim3A_37 = vector.shape_cast %get3A_10 : vector<64x1xi32> to vector<64x1x1xi32>
    %eq3A_38 = vector.broadcast %broadcast_in_dim3A : vector<1x128x128xi32> to vector<64x128x128xi32>
    %eq3A_39 = vector.broadcast %broadcast_in_dim3A_37 : vector<64x1x1xi32> to vector<64x128x128xi32>
    %eq3A_40 = arith.cmpi eq, %eq3A_38, %eq3A_39 : vector<64x128x128xi32>
    %convert_element_type3A_41 = arith.extui %eq3A_40 : vector<64x128x128xi1> to vector<64x128x128xi32>
    %convert_element_type3A_42 = arith.sitofp %convert_element_type3A_41 : vector<64x128x128xi32> to vector<64x128x128xf32>
    %mul3A_43 = arith.mulf %get3A_4, %convert_element_type3A_42 : vector<64x128x128xf32>
    %reduce_sum3A = arith.constant dense<0.000000e+00> : vector<64x128xf32>
    %reduce_sum3A_44 = vector.multi_reduction <add>, %mul3A_43, %reduce_sum3A [1] : vector<64x128x128xf32> to vector<64x128xf32>
    %get3A_45 = arith.constant 0 : index
    %get3A_46 = arith.constant 0 : index
    %get3A_47 = arith.constant 0 : index
    %get3A_48 = vector.load %arg2[%get3A_45, %get3A_46, %get3A_47] : memref<1x64x128xf32, #tpu.memory_space<vmem>>, vector<1x64x128xf32>
    %get3A_49 = vector.shape_cast %get3A_48 : vector<1x64x128xf32> to vector<64x128xf32>
    %slice3A = vector.extract_strided_slice %get3A_49 {offsets = [0, 0], sizes = [64, 32], strides = [1, 1]} : vector<64x128xf32> to vector<64x32xf32>
    %get3A_50 = arith.constant 0 : index
    %get3A_51 = arith.constant 0 : index
    %get3A_52 = vector.load %arg30[%get3A_50, %get3A_51] : memref<128x32xf32, #tpu.memory_space<vmem>>, vector<128x32xf32>
    %dot_general3A = arith.constant dense<0.000000e+00> : vector<64x32xf32>
    %dot_general3A_53 = tpu.matmul %reduce_sum3A_44, %get3A_52, %dot_general3A {dimension_numbers = #tpu.dot_dimension_numbers<[1], [0], [0], [1], [0, 0, 1, 1], [], []>, transpose_lhs_hint = false} : vector<64x128xf32>, vector<128x32xf32>, vector<64x32xf32> -> vector<64x32xf32>
    %get3A_54 = arith.constant 32 : index
    %get3A_55 = arith.constant 0 : index
    %get3A_56 = vector.load %arg10[%get3A_54, %get3A_55] : memref<64x32xf32, #tpu.memory_space<vmem>>, vector<32x32xf32>
    %dot_general3A_57 = arith.constant dense<0.000000e+00> : vector<64x32xf32>
    %dot_general3A_58 = tpu.matmul %slice3A, %get3A_56, %dot_general3A_57 {dimension_numbers = #tpu.dot_dimension_numbers<[1], [0], [0], [1], [0, 0, 1, 1], [], []>, transpose_lhs_hint = false} : vector<64x32xf32>, vector<32x32xf32>, vector<64x32xf32> -> vector<64x32xf32>
    %add3A_59 = arith.addf %dot_general3A_53, %dot_general3A_58 : vector<64x32xf32>
    %get3A_60 = arith.constant 0 : index
    %get3A_61 = arith.constant 1792 : index
    %get3A_62 = vector.load %arg18[%get3A_60, %get3A_61] : memref<1x2048xf32, #tpu.memory_space<vmem>>, vector<1x32xf32>
    %add3A_63 = vector.broadcast %get3A_62 : vector<1x32xf32> to vector<64x32xf32>
    %add3A_64 = arith.addf %add3A_59, %add3A_63 : vector<64x32xf32>
    %max3A = arith.constant 0.000000e+00 : f32
    %max3A_65 = vector.broadcast %max3A : f32 to vector<64x32xf32>
    %max3A_66 = arith.maximumf %add3A_64, %max3A_65 : vector<64x32xf32>
    %get3A_67 = arith.constant 0 : index
    %get3A_68 = arith.constant 0 : index
    %get3A_69 = vector.load %arg11[%get3A_67, %get3A_68] : memref<32x32xf32, #tpu.memory_space<vmem>>, vector<32x32xf32>
    %dot_general3A_70 = arith.constant dense<0.000000e+00> : vector<64x32xf32>
    %dot_general3A_71 = tpu.matmul %max3A_66, %get3A_69, %dot_general3A_70 {dimension_numbers = #tpu.dot_dimension_numbers<[1], [0], [0], [1], [0, 0, 1, 1], [], []>, transpose_lhs_hint = false} : vector<64x32xf32>, vector<32x32xf32>, vector<64x32xf32> -> vector<64x32xf32>
    %get3A_72 = arith.constant 0 : index
    %get3A_73 = arith.constant 1824 : index
    %get3A_74 = vector.load %arg18[%get3A_72, %get3A_73] : memref<1x2048xf32, #tpu.memory_space<vmem>>, vector<1x32xf32>
    %add3A_75 = vector.broadcast %get3A_74 : vector<1x32xf32> to vector<64x32xf32>
    %add3A_76 = arith.addf %dot_general3A_71, %add3A_75 : vector<64x32xf32>
    %max3A_77 = arith.constant 0.000000e+00 : f32
    %max3A_78 = vector.broadcast %max3A_77 : f32 to vector<64x32xf32>
    %max3A_79 = arith.maximumf %add3A_76, %max3A_78 : vector<64x32xf32>
    %get3A_80 = arith.constant 0 : index
    %get3A_81 = arith.constant 1856 : index
    %get3A_82 = vector.load %arg18[%get3A_80, %get3A_81] : memref<1x2048xf32, #tpu.memory_space<vmem>>, vector<1x32xf32>
    %mul3A_83 = vector.broadcast %get3A_82 : vector<1x32xf32> to vector<64x32xf32>
    %mul3A_84 = arith.mulf %max3A_79, %mul3A_83 : vector<64x32xf32>
    %get3A_85 = arith.constant 0 : index
    %get3A_86 = arith.constant 1888 : index
    %get3A_87 = vector.load %arg18[%get3A_85, %get3A_86] : memref<1x2048xf32, #tpu.memory_space<vmem>>, vector<1x32xf32>
    %add3A_88 = vector.broadcast %get3A_87 : vector<1x32xf32> to vector<64x32xf32>
    %add3A_89 = arith.addf %mul3A_84, %add3A_88 : vector<64x32xf32>
    %get3A_90 = arith.constant 0 : index
    %get3A_91 = arith.constant 0 : index
    %get3A_92 = vector.load %arg31[%get3A_90, %get3A_91] : memref<128x64xf32, #tpu.memory_space<vmem>>, vector<128x64xf32>
    %dot_general3A_93 = arith.constant dense<0.000000e+00> : vector<64x64xf32>
    %dot_general3A_94 = tpu.matmul %reduce_sum3A_44, %get3A_92, %dot_general3A_93 {dimension_numbers = #tpu.dot_dimension_numbers<[1], [0], [0], [1], [0, 0, 1, 1], [], []>, transpose_lhs_hint = false} : vector<64x128xf32>, vector<128x64xf32>, vector<64x64xf32> -> vector<64x64xf32>
    %get3A_95 = arith.constant 0 : index
    %get3A_96 = arith.constant 0 : index
    %get3A_97 = vector.load %arg32[%get3A_95, %get3A_96] : memref<32x64xf32, #tpu.memory_space<vmem>>, vector<32x64xf32>
    %dot_general3A_98 = arith.constant dense<0.000000e+00> : vector<64x64xf32>
    %dot_general3A_99 = tpu.matmul %slice3A, %get3A_97, %dot_general3A_98 {dimension_numbers = #tpu.dot_dimension_numbers<[1], [0], [0], [1], [0, 0, 1, 1], [], []>, transpose_lhs_hint = false} : vector<64x32xf32>, vector<32x64xf32>, vector<64x64xf32> -> vector<64x64xf32>
    %add3A_100 = arith.addf %dot_general3A_94, %dot_general3A_99 : vector<64x64xf32>
    %get3A_101 = arith.constant 0 : index
    %get3A_102 = arith.constant 0 : index
    %get3A_103 = vector.load %arg24[%get3A_101, %get3A_102] : memref<128x256xbf16, #tpu.memory_space<vmem>>, vector<128x256xbf16>
    %dot_general3A_104 = arith.constant dense<0.000000e+00> : vector<8192x256xf32>
    %dot_general3A_105 = tpu.matmul %convert_element_type3A_5, %get3A_103, %dot_general3A_104 {dimension_numbers = #tpu.dot_dimension_numbers<[1], [0], [0], [1], [0, 0, 1, 1], [], []>, transpose_lhs_hint = false} : vector<8192x128xbf16>, vector<128x256xbf16>, vector<8192x256xf32> -> vector<8192x256xf32>
    %reshape3A_106 = vector.shape_cast %dot_general3A_105 : vector<8192x256xf32> to vector<64x128x256xf32>
    %get3A_107 = arith.constant 0 : index
    %get3A_108 = arith.constant 0 : index
    %get3A_109 = vector.load %arg22[%get3A_107, %get3A_108] : memref<128x256xf32, #tpu.memory_space<vmem>>, vector<128x256xf32>
    %broadcast_in_dim3A_110 = vector.shape_cast %get3A_109 : vector<128x256xf32> to vector<1x128x256xf32>
    %add3A_111 = vector.broadcast %broadcast_in_dim3A_110 : vector<1x128x256xf32> to vector<64x128x256xf32>
    %add3A_112 = arith.addf %reshape3A_106, %add3A_111 : vector<64x128x256xf32>
    %tile3A = tpu.concatenate %add3A_100, %add3A_100, %add3A_100, %add3A_100 in 1 : vector<64x64xf32>, vector<64x64xf32>, vector<64x64xf32>, vector<64x64xf32> -> vector<64x256xf32>
    %broadcast_in_dim3A_113 = vector.shape_cast %tile3A : vector<64x256xf32> to vector<64x1x256xf32>
    %add3A_114 = vector.broadcast %broadcast_in_dim3A_113 : vector<64x1x256xf32> to vector<64x128x256xf32>
    %add3A_115 = arith.addf %add3A_112, %add3A_114 : vector<64x128x256xf32>
    %max3A_116 = arith.constant 0.000000e+00 : f32
    %max3A_117 = vector.broadcast %max3A_116 : f32 to vector<64x128x256xf32>
    %max3A_118 = arith.maximumf %add3A_115, %max3A_117 : vector<64x128x256xf32>
    %reshape3A_119 = vector.shape_cast %max3A_118 : vector<64x128x256xf32> to vector<8192x256xf32>
    %convert_element_type3A_120 = arith.truncf %reshape3A_119 : vector<8192x256xf32> to vector<8192x256xbf16>
    %get3A_121 = arith.constant 0 : index
    %get3A_122 = arith.constant 0 : index
    %get3A_123 = vector.load %arg25[%get3A_121, %get3A_122] : memref<256x256xbf16, #tpu.memory_space<vmem>>, vector<256x256xbf16>
    %dot_general3A_124 = arith.constant dense<0.000000e+00> : vector<8192x256xf32>
    %dot_general3A_125 = tpu.matmul %convert_element_type3A_120, %get3A_123, %dot_general3A_124 {dimension_numbers = #tpu.dot_dimension_numbers<[1], [0], [0], [1], [0, 0, 1, 1], [], []>, transpose_lhs_hint = false} : vector<8192x256xbf16>, vector<256x256xbf16>, vector<8192x256xf32> -> vector<8192x256xf32>
    %get3A_126 = arith.constant 0 : index
    %get3A_127 = arith.constant 256 : index
    %get3A_128 = vector.load %arg18[%get3A_126, %get3A_127] : memref<1x2048xf32, #tpu.memory_space<vmem>>, vector<1x256xf32>
    %add3A_129 = vector.broadcast %get3A_128 : vector<1x256xf32> to vector<8192x256xf32>
    %add3A_130 = arith.addf %dot_general3A_125, %add3A_129 : vector<8192x256xf32>
    %max3A_131 = arith.constant 0.000000e+00 : f32
    %max3A_132 = vector.broadcast %max3A_131 : f32 to vector<8192x256xf32>
    %max3A_133 = arith.maximumf %add3A_130, %max3A_132 : vector<8192x256xf32>
    %get3A_134 = arith.constant 0 : index
    %get3A_135 = arith.constant 512 : index
    %get3A_136 = vector.load %arg18[%get3A_134, %get3A_135] : memref<1x2048xf32, #tpu.memory_space<vmem>>, vector<1x256xf32>
    %mul3A_137 = vector.broadcast %get3A_136 : vector<1x256xf32> to vector<8192x256xf32>
    %mul3A_138 = arith.mulf %max3A_133, %mul3A_137 : vector<8192x256xf32>
    %get3A_139 = arith.constant 0 : index
    %get3A_140 = arith.constant 768 : index
    %get3A_141 = vector.load %arg18[%get3A_139, %get3A_140] : memref<1x2048xf32, #tpu.memory_space<vmem>>, vector<1x256xf32>
    %add3A_142 = vector.broadcast %get3A_141 : vector<1x256xf32> to vector<8192x256xf32>
    %add3A_143 = arith.addf %mul3A_138, %add3A_142 : vector<8192x256xf32>
    %get3A_144 = arith.constant 0 : index
    %get3A_145 = arith.constant 0 : index
    %get3A_146 = arith.constant 0 : index
    %get3A_147 = vector.load %arg1[%get3A_144, %get3A_145, %get3A_146] : memref<1x8192x8xf32, #tpu.memory_space<vmem>>, vector<1x8192x8xf32>
    %get3A_148 = vector.shape_cast %get3A_147 : vector<1x8192x8xf32> to vector<8192x8xf32>
    %get3A_149 = arith.constant 0 : index
    %get3A_150 = arith.constant 0 : index
    %get3A_151 = vector.load %arg19[%get3A_149, %get3A_150] : memref<8x256xf32, #tpu.memory_space<vmem>>, vector<8x256xf32>
    %dot_general3A_152 = arith.constant dense<0.000000e+00> : vector<8192x256xf32>
    %dot_general3A_153 = tpu.matmul %get3A_148, %get3A_151, %dot_general3A_152 {dimension_numbers = #tpu.dot_dimension_numbers<[1], [0], [0], [1], [0, 0, 1, 1], [], []>, transpose_lhs_hint = false} : vector<8192x8xf32>, vector<8x256xf32>, vector<8192x256xf32> -> vector<8192x256xf32>
    %slice3A_154 = vector.extract_strided_slice %dot_general3A_153 {offsets = [0, 0], sizes = [8192, 128], strides = [1, 1]} : vector<8192x256xf32> to vector<8192x128xf32>
    %slice3A_155 = vector.extract_strided_slice %add3A_143 {offsets = [0, 0], sizes = [8192, 128], strides = [1, 1]} : vector<8192x256xf32> to vector<8192x128xf32>
    %mul3A_156 = arith.mulf %slice3A_154, %slice3A_155 : vector<8192x128xf32>
    %slice3A_157 = vector.extract_strided_slice %dot_general3A_153 {offsets = [0, 128], sizes = [8192, 128], strides = [1, 1]} : vector<8192x256xf32> to vector<8192x128xf32>
    %slice3A_158 = vector.extract_strided_slice %add3A_143 {offsets = [0, 128], sizes = [8192, 128], strides = [1, 1]} : vector<8192x256xf32> to vector<8192x128xf32>
    %mul3A_159 = arith.mulf %slice3A_157, %slice3A_158 : vector<8192x128xf32>
    %add3A_160 = arith.addf %mul3A_156, %mul3A_159 : vector<8192x128xf32>
    %reshape3A_161 = vector.shape_cast %add3A_160 : vector<8192x128xf32> to vector<64x128x128xf32>
    %tile3A_162 = tpu.concatenate %add3A_89, %add3A_89, %add3A_89, %add3A_89 in 1 : vector<64x32xf32>, vector<64x32xf32>, vector<64x32xf32>, vector<64x32xf32> -> vector<64x128xf32>
    %broadcast_in_dim3A_163 = vector.shape_cast %tile3A_162 : vector<64x128xf32> to vector<64x1x128xf32>
    %broadcast_in_dim3A_164 = vector.shape_cast %broadcast_in_dim3A_163 : vector<64x1x128xf32> to vector<64x1x128xf32>
    %broadcast_in_dim3A_165 = vector.broadcast %broadcast_in_dim3A_164 : vector<64x1x128xf32> to vector<64x128x128xf32>
    %select_n3A_166 = arith.select %eq3A_40, %broadcast_in_dim3A_165, %reshape3A_161 : vector<64x128x128xi1>, vector<64x128x128xf32>
    %reshape3A_167 = vector.shape_cast %select_n3A_166 : vector<64x128x128xf32> to vector<8192x128xf32>
    %convert_element_type3A_168 = arith.truncf %reshape3A_167 : vector<8192x128xf32> to vector<8192x128xbf16>
    %get3A_169 = arith.constant 0 : index
    %get3A_170 = arith.constant 0 : index
    %get3A_171 = vector.load %arg26[%get3A_169, %get3A_170] : memref<128x256xbf16, #tpu.memory_space<vmem>>, vector<128x256xbf16>
    %dot_general3A_172 = arith.constant dense<0.000000e+00> : vector<8192x256xf32>
    %dot_general3A_173 = tpu.matmul %convert_element_type3A_168, %get3A_171, %dot_general3A_172 {dimension_numbers = #tpu.dot_dimension_numbers<[1], [0], [0], [1], [0, 0, 1, 1], [], []>, transpose_lhs_hint = false} : vector<8192x128xbf16>, vector<128x256xbf16>, vector<8192x256xf32> -> vector<8192x256xf32>
    %get3A_174 = arith.constant 0 : index
    %get3A_175 = arith.constant 1024 : index
    %get3A_176 = vector.load %arg18[%get3A_174, %get3A_175] : memref<1x2048xf32, #tpu.memory_space<vmem>>, vector<1x256xf32>
    %add3A_177 = vector.broadcast %get3A_176 : vector<1x256xf32> to vector<8192x256xf32>
    %add3A_178 = arith.addf %dot_general3A_173, %add3A_177 : vector<8192x256xf32>
    %slice3A_179 = vector.extract_strided_slice %add3A_178 {offsets = [0, 0], sizes = [8192, 128], strides = [1, 1]} : vector<8192x256xf32> to vector<8192x128xf32>
    %logistic3A = arith.negf %slice3A_179 : vector<8192x128xf32>
    %logistic3A_180 = math.exp %logistic3A : vector<8192x128xf32>
    %logistic3A_181 = arith.constant 1.000000e+00 : f32
    %logistic3A_182 = vector.broadcast %logistic3A_181 : f32 to vector<8192x128xf32>
    %logistic3A_183 = arith.addf %logistic3A_182, %logistic3A_180 : vector<8192x128xf32>
    %logistic3A_184 = arith.divf %logistic3A_182, %logistic3A_183 : vector<8192x128xf32>
    %reshape3A_185 = vector.shape_cast %logistic3A_184 : vector<8192x128xf32> to vector<64x128x128xf32>
    %slice3A_186 = vector.extract_strided_slice %add3A_178 {offsets = [0, 128], sizes = [8192, 128], strides = [1, 1]} : vector<8192x256xf32> to vector<8192x128xf32>
    %tanh3A = math.tanh %slice3A_186 : vector<8192x128xf32>
    %reshape3A_187 = vector.shape_cast %tanh3A : vector<8192x128xf32> to vector<64x128x128xf32>
    %get3A_188 = arith.constant 0 : index
    %get3A_189 = arith.constant 0 : index
    %get3A_190 = vector.load %arg34[%get3A_188, %get3A_189] : memref<128x128xf32, #tpu.memory_space<vmem>>, vector<128x128xf32>
    %broadcast_in_dim3A_191 = vector.shape_cast %get3A_190 : vector<128x128xf32> to vector<1x128x128xf32>
    %mul3A_192 = vector.broadcast %broadcast_in_dim3A_191 : vector<1x128x128xf32> to vector<64x128x128xf32>
    %mul3A_193 = arith.mulf %mul3A_192, %reshape3A_185 : vector<64x128x128xf32>
    %mul3A_194 = arith.mulf %mul3A_193, %select_n3A_166 : vector<64x128x128xf32>
    %sub3A_195 = arith.subf %select_n3A_166, %mul3A_194 : vector<64x128x128xf32>
    %mul3A_196 = vector.broadcast %broadcast_in_dim3A_191 : vector<1x128x128xf32> to vector<64x128x128xf32>
    %mul3A_197 = arith.mulf %mul3A_196, %reshape3A_187 : vector<64x128x128xf32>
    %add3A_198 = arith.addf %sub3A_195, %mul3A_197 : vector<64x128x128xf32>
    %reshape3A_199 = vector.shape_cast %add3A_198 : vector<64x128x128xf32> to vector<8192x128xf32>
    %convert_element_type3A_200 = arith.truncf %reshape3A_199 : vector<8192x128xf32> to vector<8192x128xbf16>
    %concatenate3A = tpu.concatenate %convert_element_type3A_200, %convert_element_type3A_5 in 1 : vector<8192x128xbf16>, vector<8192x128xbf16> -> vector<8192x256xbf16>
    %get3A_201 = arith.constant 0 : index
    %get3A_202 = arith.constant 0 : index
    %get3A_203 = vector.load %arg27[%get3A_201, %get3A_202] : memref<256x256xbf16, #tpu.memory_space<vmem>>, vector<256x256xbf16>
    %dot_general3A_204 = arith.constant dense<0.000000e+00> : vector<8192x256xf32>
    %dot_general3A_205 = tpu.matmul %concatenate3A, %get3A_203, %dot_general3A_204 {dimension_numbers = #tpu.dot_dimension_numbers<[1], [0], [0], [1], [0, 0, 1, 1], [], []>, transpose_lhs_hint = false} : vector<8192x256xbf16>, vector<256x256xbf16>, vector<8192x256xf32> -> vector<8192x256xf32>
    %get3A_206 = arith.constant 0 : index
    %get3A_207 = arith.constant 1280 : index
    %get3A_208 = vector.load %arg18[%get3A_206, %get3A_207] : memref<1x2048xf32, #tpu.memory_space<vmem>>, vector<1x256xf32>
    %add3A_209 = vector.broadcast %get3A_208 : vector<1x256xf32> to vector<8192x256xf32>
    %add3A_210 = arith.addf %dot_general3A_205, %add3A_209 : vector<8192x256xf32>
    %slice3A_211 = vector.extract_strided_slice %add3A_210 {offsets = [0, 0], sizes = [8192, 128], strides = [1, 1]} : vector<8192x256xf32> to vector<8192x128xf32>
    %logistic3A_212 = arith.negf %slice3A_211 : vector<8192x128xf32>
    %logistic3A_213 = math.exp %logistic3A_212 : vector<8192x128xf32>
    %logistic3A_214 = arith.constant 1.000000e+00 : f32
    %logistic3A_215 = vector.broadcast %logistic3A_214 : f32 to vector<8192x128xf32>
    %logistic3A_216 = arith.addf %logistic3A_215, %logistic3A_213 : vector<8192x128xf32>
    %logistic3A_217 = arith.divf %logistic3A_215, %logistic3A_216 : vector<8192x128xf32>
    %slice3A_218 = vector.extract_strided_slice %add3A_210 {offsets = [0, 128], sizes = [8192, 128], strides = [1, 1]} : vector<8192x256xf32> to vector<8192x128xf32>
    %logistic3A_219 = arith.negf %slice3A_218 : vector<8192x128xf32>
    %logistic3A_220 = math.exp %logistic3A_219 : vector<8192x128xf32>
    %logistic3A_221 = arith.constant 1.000000e+00 : f32
    %logistic3A_222 = vector.broadcast %logistic3A_221 : f32 to vector<8192x128xf32>
    %logistic3A_223 = arith.addf %logistic3A_222, %logistic3A_220 : vector<8192x128xf32>
    %logistic3A_224 = arith.divf %logistic3A_222, %logistic3A_223 : vector<8192x128xf32>
    %get3A_225 = arith.constant 0 : index
    %get3A_226 = arith.constant 0 : index
    %get3A_227 = vector.load %arg28[%get3A_225, %get3A_226] : memref<128x128xbf16, #tpu.memory_space<vmem>>, vector<128x128xbf16>
    %dot_general3A_228 = arith.constant dense<0.000000e+00> : vector<8192x128xf32>
    %dot_general3A_229 = tpu.matmul %convert_element_type3A_200, %get3A_227, %dot_general3A_228 {dimension_numbers = #tpu.dot_dimension_numbers<[1], [0], [0], [1], [0, 0, 1, 1], [], []>, transpose_lhs_hint = false} : vector<8192x128xbf16>, vector<128x128xbf16>, vector<8192x128xf32> -> vector<8192x128xf32>
    %get3A_230 = arith.constant 0 : index
    %get3A_231 = arith.constant 1536 : index
    %get3A_232 = vector.load %arg18[%get3A_230, %get3A_231] : memref<1x2048xf32, #tpu.memory_space<vmem>>, vector<1x128xf32>
    %add3A_233 = vector.broadcast %get3A_232 : vector<1x128xf32> to vector<8192x128xf32>
    %add3A_234 = arith.addf %dot_general3A_229, %add3A_233 : vector<8192x128xf32>
    %get3A_235 = arith.constant 0 : index
    %get3A_236 = arith.constant 0 : index
    %get3A_237 = vector.load %arg29[%get3A_235, %get3A_236] : memref<128x128xbf16, #tpu.memory_space<vmem>>, vector<128x128xbf16>
    %dot_general3A_238 = arith.constant dense<0.000000e+00> : vector<8192x128xf32>
    %dot_general3A_239 = tpu.matmul %convert_element_type3A_5, %get3A_237, %dot_general3A_238 {dimension_numbers = #tpu.dot_dimension_numbers<[1], [0], [0], [1], [0, 0, 1, 1], [], []>, transpose_lhs_hint = false} : vector<8192x128xbf16>, vector<128x128xbf16>, vector<8192x128xf32> -> vector<8192x128xf32>
    %get3A_240 = arith.constant 0 : index
    %get3A_241 = arith.constant 1664 : index
    %get3A_242 = vector.load %arg18[%get3A_240, %get3A_241] : memref<1x2048xf32, #tpu.memory_space<vmem>>, vector<1x128xf32>
    %add3A_243 = vector.broadcast %get3A_242 : vector<1x128xf32> to vector<8192x128xf32>
    %add3A_244 = arith.addf %dot_general3A_239, %add3A_243 : vector<8192x128xf32>
    %mul3A_245 = arith.mulf %logistic3A_217, %add3A_244 : vector<8192x128xf32>
    %add3A_246 = arith.addf %add3A_234, %mul3A_245 : vector<8192x128xf32>
    %tanh3A_247 = math.tanh %add3A_246 : vector<8192x128xf32>
    %sub3A_248 = arith.constant 1.000000e+00 : f32
    %sub3A_249 = vector.broadcast %sub3A_248 : f32 to vector<8192x128xf32>
    %sub3A_250 = arith.subf %sub3A_249, %logistic3A_224 : vector<8192x128xf32>
    %mul3A_251 = arith.mulf %sub3A_250, %tanh3A_247 : vector<8192x128xf32>
    %mul3A_252 = arith.mulf %logistic3A_224, %reshape3A : vector<8192x128xf32>
    %add3A_253 = arith.addf %mul3A_251, %mul3A_252 : vector<8192x128xf32>
    %reshape3A_254 = vector.shape_cast %add3A_253 : vector<8192x128xf32> to vector<64x128x128xf32>
    %swap3A = arith.constant 0 : index
    %swap3A_255 = arith.constant 0 : index
    %swap3A_256 = arith.constant 0 : index
    %swap3A_257 = vector.load %arg21[%swap3A, %swap3A_255, %swap3A_256] : memref<64x128x128xf32, #tpu.memory_space<vmem>>, vector<64x128x128xf32>
    tpu.vector_store %arg21[%swap3A, %swap3A_255, %swap3A_256], %reshape3A_254 {strides = array<i32>} : memref<64x128x128xf32, #tpu.memory_space<vmem>>, vector<64x128x128xf32>,
    %get3A_258 = arith.constant 0 : index
    %get3A_259 = arith.constant 0 : index
    %get3A_260 = arith.constant 0 : index
    %get3A_261 = vector.load %arg4[%get3A_258, %get3A_259, %get3A_260] : memref<1x64x1xi32, #tpu.memory_space<vmem>>, vector<1x64x1xi32>
    %get3A_262 = vector.shape_cast %get3A_261 : vector<1x64x1xi32> to vector<64x1xi32>
    %broadcast_in_dim3A_263 = vector.shape_cast %add3A : vector<128x128xi32> to vector<1x128x128xi32>
    %broadcast_in_dim3A_264 = vector.shape_cast %get3A_262 : vector<64x1xi32> to vector<64x1x1xi32>
    %eq3A_265 = vector.broadcast %broadcast_in_dim3A_263 : vector<1x128x128xi32> to vector<64x128x128xi32>
    %eq3A_266 = vector.broadcast %broadcast_in_dim3A_264 : vector<64x1x1xi32> to vector<64x128x128xi32>
    %eq3A_267 = arith.cmpi eq, %eq3A_265, %eq3A_266 : vector<64x128x128xi32>
    %convert_element_type3A_268 = arith.extui %eq3A_267 : vector<64x128x128xi1> to vector<64x128x128xi32>
    %convert_element_type3A_269 = arith.sitofp %convert_element_type3A_268 : vector<64x128x128xi32> to vector<64x128x128xf32>
    %reshape3A_270 = vector.shape_cast %add3A_253 : vector<8192x128xf32> to vector<64x128x128xf32>
    %mul3A_271 = arith.mulf %reshape3A_270, %convert_element_type3A_269 : vector<64x128x128xf32>
    %reduce_sum3A_272 = arith.constant dense<0.000000e+00> : vector<64x128xf32>
    %reduce_sum3A_273 = vector.multi_reduction <add>, %mul3A_271, %reduce_sum3A_272 [1] : vector<64x128x128xf32> to vector<64x128xf32>
    %get3A_274 = arith.constant 0 : index
    %get3A_275 = arith.constant 0 : index
    %get3A_276 = vector.load %arg33[%get3A_274, %get3A_275] : memref<128x1xf32, #tpu.memory_space<vmem>>, vector<128x1xf32>
    %dot_general3A_277 = arith.constant dense<0.000000e+00> : vector<64x1xf32>
    %dot_general3A_278 = tpu.matmul %reduce_sum3A_273, %get3A_276, %dot_general3A_277 {dimension_numbers = #tpu.dot_dimension_numbers<[1], [0], [0], [1], [0, 0, 1, 1], [], []>, transpose_lhs_hint = false} : vector<64x128xf32>, vector<128x1xf32>, vector<64x1xf32> -> vector<64x1xf32>
    %get3A_279 = arith.constant 0 : index
    %get3A_280 = arith.constant 1920 : index
    %get3A_281 = vector.load %arg18[%get3A_279, %get3A_280] : memref<1x2048xf32, #tpu.memory_space<vmem>>, vector<1x1xf32>
    %add3A_282 = vector.broadcast %get3A_281 : vector<1x1xf32> to vector<64x1xf32>
    %add3A_283 = arith.addf %dot_general3A_278, %add3A_282 : vector<64x1xf32>
    %logistic3A_284 = arith.negf %add3A_283 : vector<64x1xf32>
    %logistic3A_285 = math.exp %logistic3A_284 : vector<64x1xf32>
    %logistic3A_286 = arith.constant 1.000000e+00 : f32
    %logistic3A_287 = vector.broadcast %logistic3A_286 : f32 to vector<64x1xf32>
    %logistic3A_288 = arith.addf %logistic3A_287, %logistic3A_285 : vector<64x1xf32>
    %logistic3A_289 = arith.divf %logistic3A_287, %logistic3A_288 : vector<64x1xf32>
    %swap3A_290 = arith.constant 0 : index
    %swap3A_291 = arith.constant 0 : index
    %swap3A_292 = arith.constant 0 : index
    %swap3A_293 = vector.load %arg20[%swap3A_290, %swap3A_291, %swap3A_292] : memref<1x64x1xf32, #tpu.memory_space<vmem>>, vector<1x64x1xf32>
    %swap3A_294 = vector.shape_cast %swap3A_293 : vector<1x64x1xf32> to vector<64x1xf32>
    %swap3A_295 = vector.shape_cast %logistic3A_289 : vector<64x1xf32> to vector<1x64x1xf32>
    tpu.vector_store %arg20[%swap3A_290, %swap3A_291, %swap3A_292], %swap3A_295 {strides = array<i32>} : memref<1x64x1xf32, #tpu.memory_space<vmem>>, vector<1x64x1xf32>,
    return
  }
  func.func @transform_0(%arg0: i32) -> (i32, i32, i32) {
    %c0_i32 = arith.constant 0 : i32
    %c0_i32_0 = arith.constant 0 : i32
    %c0_i32_1 = arith.constant 0 : i32
    return %arg0, %c0_i32, %c0_i32_0 : i32, i32, i32
  }
  func.func @transform_1(%arg0: i32) -> (i32, i32, i32) {
    %c0_i32 = arith.constant 0 : i32
    %c0_i32_0 = arith.constant 0 : i32
    %c0_i32_1 = arith.constant 0 : i32
    return %arg0, %c0_i32, %c0_i32_0 : i32, i32, i32
  }
  func.func @transform_2(%arg0: i32) -> (i32, i32, i32) {
    %c0_i32 = arith.constant 0 : i32
    %c0_i32_0 = arith.constant 0 : i32
    %c0_i32_1 = arith.constant 0 : i32
    return %arg0, %c0_i32, %c0_i32_0 : i32, i32, i32
  }
  func.func @transform_3(%arg0: i32) -> (i32, i32, i32) {
    %c0_i32 = arith.constant 0 : i32
    %c0_i32_0 = arith.constant 0 : i32
    %c0_i32_1 = arith.constant 0 : i32
    return %arg0, %c0_i32, %c0_i32_0 : i32, i32, i32
  }
  func.func @transform_4(%arg0: i32) -> (i32, i32) {
    %c0_i32 = arith.constant 0 : i32
    %c0_i32_0 = arith.constant 0 : i32
    %c0_i32_1 = arith.constant 0 : i32
    return %c0_i32, %c0_i32_0 : i32, i32
  }
  func.func @transform_5(%arg0: i32) -> (i32, i32) {
    %c0_i32 = arith.constant 0 : i32
    %c0_i32_0 = arith.constant 0 : i32
    %c0_i32_1 = arith.constant 0 : i32
    return %c0_i32, %c0_i32_0 : i32, i32
  }
  func.func @transform_6(%arg0: i32) -> (i32, i32) {
    %c0_i32 = arith.constant 0 : i32
    %c0_i32_0 = arith.constant 0 : i32
    %c0_i32_1 = arith.constant 0 : i32
    return %c0_i32, %c0_i32_0 : i32, i32
  }
  func.func @transform_7(%arg0: i32) -> (i32, i32) {
    %c0_i32 = arith.constant 0 : i32
    %c0_i32_0 = arith.constant 0 : i32
    %c0_i32_1 = arith.constant 0 : i32
    return %c0_i32, %c0_i32_0 : i32, i32
  }
  func.func @transform_8(%arg0: i32) -> (i32, i32) {
    %c0_i32 = arith.constant 0 : i32
    %c0_i32_0 = arith.constant 0 : i32
    %c0_i32_1 = arith.constant 0 : i32
    return %c0_i32, %c0_i32_0 : i32, i32
  }
  func.func @transform_9(%arg0: i32) -> (i32, i32) {
    %c0_i32 = arith.constant 0 : i32
    %c0_i32_0 = arith.constant 0 : i32
    %c0_i32_1 = arith.constant 0 : i32
    return %c0_i32, %c0_i32_0 : i32, i32
  }
  func.func @transform_10(%arg0: i32) -> (i32, i32) {
    %c0_i32 = arith.constant 0 : i32
    %c0_i32_0 = arith.constant 0 : i32
    %c0_i32_1 = arith.constant 0 : i32
    return %c0_i32, %c0_i32_0 : i32, i32
  }
  func.func @transform_11(%arg0: i32) -> (i32, i32) {
    %c0_i32 = arith.constant 0 : i32
    %c0_i32_0 = arith.constant 0 : i32
    %c0_i32_1 = arith.constant 0 : i32
    return %c0_i32, %c0_i32_0 : i32, i32
  }
  func.func @transform_12(%arg0: i32) -> (i32, i32) {
    %c0_i32 = arith.constant 0 : i32
    %c0_i32_0 = arith.constant 0 : i32
    %c0_i32_1 = arith.constant 0 : i32
    return %c0_i32, %c0_i32_0 : i32, i32
  }
  func.func @transform_13(%arg0: i32) -> (i32, i32) {
    %c0_i32 = arith.constant 0 : i32
    %c0_i32_0 = arith.constant 0 : i32
    %c0_i32_1 = arith.constant 0 : i32
    return %c0_i32, %c0_i32_0 : i32, i32
  }
  func.func @transform_14(%arg0: i32) -> (i32, i32) {
    %c0_i32 = arith.constant 0 : i32
    %c0_i32_0 = arith.constant 0 : i32
    %c0_i32_1 = arith.constant 0 : i32
    return %c0_i32, %c0_i32_0 : i32, i32
  }
  func.func @transform_15(%arg0: i32) -> (i32, i32) {
    %c0_i32 = arith.constant 0 : i32
    %c0_i32_0 = arith.constant 0 : i32
    %c0_i32_1 = arith.constant 0 : i32
    return %c0_i32, %c0_i32_0 : i32, i32
  }
  func.func @transform_16(%arg0: i32) -> (i32, i32) {
    %c0_i32 = arith.constant 0 : i32
    %c0_i32_0 = arith.constant 0 : i32
    %c0_i32_1 = arith.constant 0 : i32
    return %c0_i32, %c0_i32_0 : i32, i32
  }
  func.func @transform_17(%arg0: i32) -> (i32, i32) {
    %c0_i32 = arith.constant 0 : i32
    %c0_i32_0 = arith.constant 0 : i32
    %c0_i32_1 = arith.constant 0 : i32
    return %c0_i32, %c0_i32_0 : i32, i32
  }
  func.func @transform_18(%arg0: i32) -> (i32, i32) {
    %c0_i32 = arith.constant 0 : i32
    %c0_i32_0 = arith.constant 0 : i32
    %c0_i32_1 = arith.constant 0 : i32
    return %c0_i32, %c0_i32_0 : i32, i32
  }
  func.func @transform_19(%arg0: i32) -> (i32, i32, i32) {
    %c0_i32 = arith.constant 0 : i32
    %c0_i32_0 = arith.constant 0 : i32
    %c0_i32_1 = arith.constant 0 : i32
    return %arg0, %c0_i32, %c0_i32_0 : i32, i32, i32
  }
}

</mosaic_0001>

<sc_bundles>
// kernel: kernel.4.cloned.1.call-start
scs
__scs_entry_jumppad:
0x0: {  	(pc) =	sbr.rel $0x88, $3  }
0x1: {  	(tag) =	ssettag $0x0;
	lr =	simm.s32 $0x1  }
0x2: {  	[smem:$0x3F7F] =	sst lr;
	_ =	strace $0xD0000000  }
0x3: {  	_ = 	snop  }
0x4: {  	_ = 	snop  }
0x5: {  	_ = 	snop  }
0x6: {  	_ = 	snop  }
0x7: {  	_ = 	snop  }
__scs_overlays_trampoline_lowered:
0x8: {  	[smem:$0x3F8E] =	sst s0  }
0x9: {  	[smem:$0x3F8F] =	sst s1  }
0xa: {  	[smem:$0x3F90] =	sst s2  }
0xb: {  	[smem:$0x3F91] =	sst s3  }
0xc: {  	[smem:$0x3F92] =	sst s4  }
0xd: {  	[smem:$0x3F93] =	sst s5  }
0xe: {  	[smem:$0x3F94] =	sst s6  }
0xf: {  	[smem:$0x3F95] =	sst s7  }
0x10: {  	[smem:$0x3F96] =	sst s8  }
0x11: {  	[smem:$0x3F97] =	sst s9;
	s0 =	simm.s32 @!p0 $0x0  }
0x12: {  	s1 =	sld [smem:$0x3F7D];
	s0 =	simm.s32 @p0 $0x1  }
0x13: {  	[smem:$0x3F98] =	sst s0;
	s0 =	simm.s32 @!p1 $0x0  }
0x14: {  	s2 =	sld [smem:$0x3F7C];
	s0 =	simm.s32 @p1 $0x1  }
0x15: {  	[smem:$0x3F99] =	sst s0;
	s0 =	simm.s32 @!p2 $0x0  }
0x16: {  	s3 =	sld [smem:$0x3FDB];
	s0 =	simm.s32 @p2 $0x1  }
0x17: {  	s4 =	simm.s32 $0x1BF5;
	[smem:$0x3F9B] =	sst s0  }
0x18: {  	s0 =	sld [smem:$0x3F7E];
	_ =	swait.ge [sflag:s4], $0x0  }
0x19: {  	s7 =	sld [smem:$0x3F7F]  }
0x1a: {  	s8 =	sadd.s32 $0xFFFFE003, lr  }
0x1b: {  	s9 =	sadd.s32 $0xFFFFFEF7, lr;
	s5 =	simm.s32 $0xFFFFFFFF;
	p2 =	slt.u32 s8, $0xFFFFF086  }
0x1c: {  	p1 =	slt.u32 s9, $0xF7A;
	s5 =	simm.s32 @!p2 $0x0  }
0x1d: {  	s5 =	simm.s32 @p1 $0x1;
	p0 =	seq.s32 s7, s2  }
0x1e: {  	s7 =	smul.u32 @!p0 $0xF7A, s2;
	p2 =	seq.s32 @!p0 s5, $0x0  }
0x1f: {  	s9 =	smul.u32 $0xF7A, s1;
	s8 =	simm.s32 @!p0 $0x1BF5;
	p2 =	por !p2, p0  }
0x20: {  	[sflag:s8] =	ssyncset.s32 @!p0 $0xFFFFF086;
	s6 =	sadd.s32 @!p0 s3, s7;
	s7 =	simm.s32 @!p0 $0x108  }
0x21: {  	s3 =	sadd.s32 s3, s9;
	s6 =	sadd.s32 @!p0 $0x88, s6;
	s7 =	simm.s32 @p2 $0x1082  }
0x22: {  	[simem:s7], [sflag:s8] =	dma.local @!p0 [hbm:s6], $0xF7A  }
0x23: {  	s9 =	sor.u32 $0xD0000000, s2;
	s6 =	simm.s32 $0x108;
	_ =	swait.ge @!p0 [sflag:s8], $0x0  }
0x24: {  	s3 =	sadd.s32 $0x88, s3;
	s6 =	simm.s32 @!p1 $0x1082;
	[sflag:s4] =	ssyncset.s32 $0xFFFFF086  }
0x25: {  	[simem:s6], [sflag:s4] =	dma.local [hbm:s3], $0xF7A  }
0x26: {  	[smem:$0x3F7F] =	sst s1;
	(tag) =	ssettag s2;
	_ =	strace s9  }
0x27: {  	s1 =	sld [smem:$0x3F8F]  }
0x28: {  	s2 =	sld [smem:$0x3F90]  }
0x29: {  	s4 =	sld [smem:$0x3F92]  }
0x2a: {  	p0 =	seq.s32 s5, $0x0;
	s5 =	sld [smem:$0x3F93]  }
0x2b: {  	s6 =	sld [smem:$0x3F94]  }
0x2c: {  	s7 =	sld [smem:$0x3F95]  }
0x2d: {  	s3 =	simm.s32 $0x108;
	s8 =	sld [smem:$0x3F96]  }
0x2e: {  	s3 =	simm.s32 @!p0 $0x1082;
	s9 =	sld [smem:$0x3F97]  }
0x2f: {  	lr =	sadd.s32 s0, s3;
	s0 =	sld [smem:$0x3F8E]  }
0x30: {  	s3 =	sld [smem:$0x3F91]  }
0x31: {  	[smem:$0x3F9A] =	sst s10  }
0x32: {  	s10 =	sld [smem:$0x3F98];
	_ =	sdelay $0x3  }
0x33: {  	p0 =	seq.s32 s10, $0x1;
	s10 =	sld [smem:$0x3F9A];
	_ =	sdelay $0x3  }
0x34: {  	[smem:$0x3F9A] =	sst s10  }
0x35: {  	s10 =	sld [smem:$0x3F99];
	_ =	sdelay $0x3  }
0x36: {  	p1 =	seq.s32 s10, $0x1;
	s10 =	sld [smem:$0x3F9A];
	_ =	sdelay $0x3  }
0x37: {  	[smem:$0x3F9A] =	sst s10  }
0x38: {  	s10 =	sld [smem:$0x3F9B]  }
0x39: {  	_ = 	snop;
	(pc) =	sbr.ind lr, $3  }
0x3a: {  	_ = 	snop  }
0x3b: {  	_ = 	snop  }
0x3c: {  	p2 =	seq.s32 s10, $0x1;
	s10 =	sld [smem:$0x3F9A]  }
0x3d: {  	_ =	shalt  }
0x3e: {  	_ =	shalt  }
0x3f: {  	_ =	shalt  }
0x40: {  	_ =	shalt  }
0x41: {  	_ =	shalt  }
0x42: {  	_ =	shalt  }
0x43: {  	_ =	shalt  }
0x44: {  	_ =	shalt  }
0x45: {  	_ =	shalt  }
0x46: {  	_ =	shalt  }
0x47: {  	_ =	shalt  }
0x48: {  	_ =	shalt  }
0x49: {  	_ =	shalt  }
0x4a: {  	_ =	shalt  }
0x4b: {  	_ =	shalt  }
0x4c: {  	_ =	shalt  }
0x4d: {  	_ =	shalt  }
0x4e: {  	_ =	shalt  }
0x4f: {  	_ =	shalt  }
0x50: {  	_ =	shalt  }
0x51: {  	_ =	shalt  }
0x52: {  	_ =	shalt  }
0x53: {  	_ =	shalt  }
0x54: {  	_ =	shalt  }
0x55: {  	_ =	shalt  }
0x56: {  	_ =	shalt  }
0x57: {  	_ =	shalt  }
0x58: {  	_ =	shalt  }
0x59: {  	_ =	shalt  }
0x5a: {  	_ =	shalt  }
0x5b: {  	_ =	shalt  }
0x5c: {  	_ =	shalt  }
0x5d: {  	_ =	shalt  }
0x5e: {  	_ =	shalt  }
0x5f: {  	_ =	shalt  }
0x60: {  	_ =	shalt  }
0x61: {  	_ =	shalt  }
0x62: {  	_ =	shalt  }
0x63: {  	_ =	shalt  }
0x64: {  	_ =	shalt  }
0x65: {  	_ =	shalt  }
0x66: {  	_ =	shalt  }
0x67: {  	_ =	shalt  }
0x68: {  	_ =	shalt  }
0x69: {  	_ =	shalt  }
0x6a: {  	_ =	shalt  }
0x6b: {  	_ =	shalt  }
0x6c: {  	_ =	shalt  }
0x6d: {  	_ =	shalt  }
0x6e: {  	_ =	shalt  }
0x6f: {  	_ =	shalt  }
0x70: {  	_ =	shalt  }
0x71: {  	_ =	shalt  }
0x72: {  	_ =	shalt  }
0x73: {  	_ =	shalt  }
0x74: {  	_ =	shalt  }
0x75: {  	_ =	shalt  }
0x76: {  	_ =	shalt  }
0x77: {  	_ =	shalt  }
0x78: {  	_ =	shalt  }
0x79: {  	_ =	shalt  }
0x7a: {  	_ =	shalt  }
0x7b: {  	_ =	shalt  }
0x7c: {  	_ =	shalt  }
0x7d: {  	_ =	shalt  }
0x7e: {  	_ =	shalt  }
0x7f: {  	_ =	shalt  }
0x80: {  	_ =	shalt  }
0x81: {  	_ =	shalt  }
0x82: {  	_ =	shalt  }
0x83: {  	_ =	shalt  }
0x84: {  	_ =	shalt  }
0x85: {  	_ =	shalt  }
0x86: {  	_ =	shalt  }
0x87: {  	_ =	shalt  }
.Lfunc_end0:
.L_simem_size_0:
called_computation_lowered:
.L_overlay_start_0:
0x88: {  	s2 =	sld [smem:$0x3FD9]  }
0x89: {  	s3 =	sld [smem:$0x3FFE];
	_ =	sdelay $0x1  }
0x8a: {  	s1 =	srdreg.scid  }
0x8b: {  	s0 =	sand.u32 $0x1, s1  }
0x8c: {  	s17 =	sshll.u32 s0, $0xA;
	s2 =	sadd.s32 s3, s2  }
0x8d: {  	s2 =	sadd.s32 s2, s17  }
0x8e: {  	[smem:$0x3FA6] =	sst s2  }
0x8f: {  	_ = 	snop  }
0x90: {  	s2 =	sld [smem:$0x3FAE]  }
0x91: {  	s18 =	sld [smem:$0x3FD0];
	(tm) =	ssettm $0x1  }
0x92: {  	s4 =	sld [smem:$0x3FFB];
	_ =	sdelay $0x3  }
0x93: {  	_ =	strace s4  }
0x94: {  	s4 =	sld [smem:$0x3FFC];
	_ =	sdelay $0x3  }
0x95: {  	_ =	strace s4  }
0x96: {  	s4 =	sld [smem:$0x3FFD];
	_ =	sdelay $0x3  }
0x97: {  	_ =	strace s4  }
0x98: {  	_ =	strace $0x8FFFFFFF  }
0x99: {  	s19 =	sld [smem:$0x3FDB];
	_ =	sdelay $0x1  }
0x9a: {  	s5 =	simm.s32 $_scs_section_size  }
0x9b: {  	s6 =	simm.s32 $_size__tile_overlayer_lowered;
	s7 =	simm.s32 $_tile_overlayer_lowered  }
0x9c: {  	s22 =	simm.s32 $0x1BFF;
	s21 =	sshll.u32 s7, $0x1;
	s4 =	sadd.s32 s5, s19  }
0x9d: {  	s8 =	simm.s32 $0x0;
	s20 =	sshll.u32 s6, $0x1;
	s6 =	sadd.s32 s21, s4  }
0x9e: {  	[timem:s8], [sflag:s22] =	dma.local [hbm:s6], s20  }
0x9f: {  	_ =	swait.ge [sflag:s22], s20  }
0xa0: {  	s5 =	ssub.s32 $0x0, s20;
	[sflag:s22] =	ssyncset.done $0x0  }
0xa1: {  	[sflag:s22] =	ssyncadd.s32 s5;
	_ =	sdelay $0x1  }
0xa2: {  	s23 =	simm.s32 $0x1B8B  }
0xa3: {  	_ =	swait.ge [sflag:s23], $0x1  }
0xa4: {  	[sflag:s23] =	ssyncset.done $0x0  }
0xa5: {  	s25 =	simm.s32 $0x1B8E;
	s24 =	sld [smem:$0x3FFE];
	[sflag:s23] =	ssyncadd.s32 $0xFFFFFFFF  }
0xa6: {  	s26 =	simm.s32 $execute0_lowered;
	[smem:$0x3FD2] =	sst s25  }
0xa7: {  	s6 =	sshll.u32 s26, $0x1;
	_ =	strace $0x80000046;
	[dreg:$0x1] =	wrdreg $0xFFFFFFFF  }
0xa8: {  	s28 =	simm.s32 $_size_execute0_lowered;
	s4 =	sadd.s32 s4, s6;
	[dreg:$0x0] =	wrdreg $0x0  }
0xa9: {  	s6 =	sshll.u32 s28, $0x1;
	[dreg:$0x2] =	wrdreg s4  }
0xaa: {  	[dreg:$0x3] =	wrdreg s6  }
0xab: {  	[dreg:$0x4] =	wrdreg $0xC0  }
0xac: {  	_ =	task [dreg:s8], $0x5FFFF  }
0xad: {  	[dreg:$0x1] =	wrdreg $0xFFFFFFFF  }
0xae: {  	[dreg:$0x0] =	wrdreg $0x60  }
0xaf: {  	[dreg:$0x2] =	wrdreg s18  }
0xb0: {  	[dreg:$0x3] =	wrdreg s24  }
0xb1: {  	[dreg:$0x4] =	wrdreg s2  }
0xb2: {  	[dreg:$0x5] =	wrdreg $0x9  }
0xb3: {  	_ =	task.clear_ibuf [dreg:s8], $0x6FFFF;
	_ =	strace $0x90000046  }
0xb4: {  	s29 =	simm.s32 $0x9;
	_ =	strace $0x80000048  }
0xb5: {  	_ =	swait.ge [sflag:s29], $0x1  }
0xb6: {  	[sflag:s29] =	ssyncadd.s32 $0xFFFFFFFF  }
0xb7: {  	_ =	strace $0x90000048  }
0xb8: {  	_ =	sfence  }
0xb9: {  	s30 =	sld [smem:$0x0];
	_ =	sdelay $0x2  }
0xba: {  	s31 =	sshll.u32 s1, $0xD;
	s1 =	sshrl.u32 s1, $0x2  }
0xbb: {  	s3 =	sand.u32 $0x4000, s31;
	s1 =	sadd.s32 s1, s30  }
0xbc: {  	s0 =	sor.u32 s3, s0;
	s1 =	sshll.u32 s1, $0x11  }
0xbd: {  	s0 =	sor.u32 s1, s0  }
0xbe: {  	s0 =	sadd.s32 $0x8F2B, s0  }
0xbf: {  	[sflag:s0] =	ssyncadd.remote.s32 $0x1  }
0xc0: {  	_ =	sfence.sel $0xFFFF  }
0xc1: {  	[dreg:$0x0] =	wrdreg $0xFFFFFFFF;
	(pc) =	sbr.abs _section_cstart, $3  }
0xc2: {  	[dreg:$0x1] =	wrdreg $0xFFFFFFFF  }
0xc3: {  	_ =	task.clear_ibuf [dreg:s8], $0x2FFFF;
	_ =	strace $0x9FFFFFFF  }
0xc4: {  	(tm) =	ssettm $0x7FFFFFFF  }
0xc5: {  	_ =	shalt  }
tec
execute0_lowered:
.L_overlay_start_1:
0x0: {  	(tag) =	ssettag $0x1  }
0x1: {  	s1 =	rddreg [dreg:$0x0]  }
0x2: {  	s2 =	srdreg.scid;
	s0 =	stileid.u32  }
0x3: {  	s6 =	rddreg [dreg:$0x1];
	s12 =	simm.s32 $0x1880;
	s13 =	simm.s32 $0x2080  }
0x4: {  	s14 =	simm.s32 $0x2880;
	s15 =	simm.s32 $0x3080;
	s16 =	simm.s32 $0x3880  }
0x5: {  	s17 =	simm.s32 $0x4080;
	s18 =	simm.s32 $0x4880;
	s19 =	simm.s32 $0x1  }
0x6: {  	s20 =	simm.s32 $0x5080;
	s28 =	simm.s32 $0x8880;
	s29 =	simm.s32 $0x9080  }
0x7: {  	s30 =	simm.s32 $0x9880;
	s5 =	sand.u32 $0x1, s2;
	s3 =	sshll.u32 s0, $0x1  }
0x8: {  	s31 =	simm.s32 $0x28;
	s2 =	rddreg [dreg:$0x2];
	s4 =	sor.u32 s5, s3  }
0x9: {  	s9 =	sadd.s32 $0x9800, s6;
	s3 =	simm.s32 $0x0;
	s7 =	smul.u32 $0x5, s4  }
0xa: {  	s5 =	ssub.s32 $0x2, s5;
	[smem:$0x7FF] =	sst s3;
	s8 =	smul.u32 $0xA00, s4  }
0xb: {  	s10 =	smul.u32 $0x280, s4;
	s4 =	sadd.s32 $0x1600, s6;
	s23 =	sshrl.u32 s5, $0x1  }
0xc: {  	_ =	strace $0x80000047;
	[dreg:$0x4] =	wrdreg s9;
	s9 =	simm.s32 $0x80  }
0xd: {  	s11 =	sadd.s32 s7, s6;
	s8 =	sadd.s32 s8, s6;
	s21 =	sadd.s32 s10, s6  }
0xe: {  	s1 =	sadd.s32 s1, s7;
	s7 =	ssub.s32 s5, s23;
	s5 =	sadd.s32 $0x100, s2  }
0xf: {  	s6 =	sadd.s32 $0x1700, s6;
	s10 =	simm.s32 $0x880;
	s23 =	simm.s32 $0x6880  }
0x10: {  	[dreg:$0x5] =	wrdreg s1;
	s22 =	sadd.s32 $0xD800, s8;
	s24 =	sadd.s32 $0x21800, s8  }
0x11: {  	s25 =	sadd.s32 $0x9600, s11;
	s26 =	sadd.s32 $0x35800, s21;
	[dreg:$0x6] =	wrdreg s22  }
0x12: {  	s7 =	smax.u32 s7, $0x1;
	s8 =	simm.s32 $0x2;
	[dreg:$0x7] =	wrdreg s24  }
0x13: {  	v2 =	vlaneseq.u32;
	s11 =	simm.s32 $0x1080;
	s21 =	simm.s32 $0x5880;
	[dreg:$0x8] =	wrdreg s25  }
0x14: {  	vm0 =	vmmov $0xffff;
	v1 =	vshrl.u32 v2, $0x3;
	s1 =	simm.s32 $0xA080;
	[dreg:$0x9] =	wrdreg s26;
	s22 =	simm.s32 $0x6080  }
0x15: {  	v0 =	vand.u32 $0x7, v2;
	v2 =	vor.u32 $0x8, v2;
	v1 =	vmul.u32 $0x8, v1;
	s24 =	simm.s32 $0x7080;
	s25 =	simm.s32 $0x7880;
	s26 =	simm.s32 $0x8080  }
.LBB2_1:
0x16: {  	s0 =	rddreg [dreg:$0x5]  }
0x17: {  	[tilespmem:s3], [sflag:$0x2] =	stream.linear.gather [hbm4b:s0+s3], $0x28, $0x38;
	[tilespmem:$0xB480] =	vst v63  }
0x18: {  	_ =	swait.ge [sflag:s8], $0x28  }
0x19: {  	[sflag:s8] =	ssyncset.done $0x0  }
0x1a: {  	[sflag:s8] =	ssyncadd.s32 $0xFFFFFFD8  }
0x1b: {  	v3 =	vld [tilespmem:$0x0];
	_ =	sdelay $0x4  }
0x1c: {  	v4 =	vshll.u32 v3, $0x2  }
0x1d: {  	v3 =	vand.u32 $0x7, v3;
	v4 =	vand.u32 $0xFFFFFFE0, v4  }
0x1e: {  	v3 =	vor.u32 v3, v4  }
0x1f: {  	v4 =	vperm.xlane v3, v0;
	_ =	sdelay $0x1  }
0x20: {  	v4 =	vadd.s32 v1, v4;
	_ =	sdelay $0x1  }
0x21: {  	v3 =	vperm.xlane v3, v2;
	_ =	sdelay $0x1  }
0x22: {  	v3 =	vadd.s32 v1, v3  }
0x23: {  	[tilespmem:s9], [sflag:$0x1] =	stream.indirect_vreg.gather [hbm4b:s2+s3], $0x80, v4, vm0, $0xb8;
	[tilespmem:$0xB480] =	vst v63  }
0x24: {  	_ = 	snop  }
0x25: {  	[tilespmem:s10], [sflag:$0x1] =	stream.indirect_vreg.gather [hbm4b:s5+s3], $0x80, v4, vm0, $0xb8;
	[tilespmem:$0xB480] =	vst v63  }
0x26: {  	_ = 	snop  }
0x27: {  	[tilespmem:s11], [sflag:$0x1] =	stream.indirect_vreg.gather [hbm4b:s2+s3], $0x80, v3, vm0, $0xb8;
	[tilespmem:$0xB480] =	vst v63  }
0x28: {  	_ = 	snop  }
0x29: {  	[tilespmem:s12], [sflag:$0x1] =	stream.indirect_vreg.gather [hbm4b:s5+s3], $0x80, v3, vm0, $0xb8;
	[tilespmem:$0xB480] =	vst v63  }
0x2a: {  	v3 =	vld [tilespmem:$0x10];
	_ =	sdelay $0x4  }
0x2b: {  	v59 =	vshll.u32 v3, $0x2  }
0x2c: {  	v3 =	vand.u32 $0x7, v3;
	v4 =	vand.u32 $0xFFFFFFE0, v59  }
0x2d: {  	v3 =	vor.u32 v3, v4  }
0x2e: {  	v4 =	vperm.xlane v3, v0;
	_ =	sdelay $0x1  }
0x2f: {  	v4 =	vadd.s32 v1, v4;
	_ =	sdelay $0x1  }
0x30: {  	v3 =	vperm.xlane v3, v2;
	_ =	sdelay $0x1  }
0x31: {  	v3 =	vadd.s32 v1, v3  }
0x32: {  	[tilespmem:s13], [sflag:$0x1] =	stream.indirect_vreg.gather [hbm4b:s2+s3], $0x80, v4, vm0, $0xb8;
	[tilespmem:$0xB480] =	vst v63  }
0x33: {  	_ = 	snop  }
0x34: {  	[tilespmem:s14], [sflag:$0x1] =	stream.indirect_vreg.gather [hbm4b:s5+s3], $0x80, v4, vm0, $0xb8;
	[tilespmem:$0xB480] =	vst v63  }
0x35: {  	_ = 	snop  }
0x36: {  	[tilespmem:s15], [sflag:$0x1] =	stream.indirect_vreg.gather [hbm4b:s2+s3], $0x80, v3, vm0, $0xb8;
	[tilespmem:$0xB480] =	vst v63  }
0x37: {  	_ = 	snop  }
0x38: {  	[tilespmem:s16], [sflag:$0x1] =	stream.indirect_vreg.gather [hbm4b:s5+s3], $0x80, v3, vm0, $0xb8;
	[tilespmem:$0xB480] =	vst v63  }
0x39: {  	v3 =	vld.msk [tilespmem:$0x20], $0xff;
	_ =	sdelay $0x4  }
0x3a: {  	v60 =	vshll.u32 v3, $0x2  }
0x3b: {  	v3 =	vand.u32 $0x7, v3;
	v4 =	vand.u32 $0xFFFFFFE0, v60  }
0x3c: {  	v3 =	vor.u32 v3, v4  }
0x3d: {  	v3 =	vperm.xlane v3, v0;
	_ =	sdelay $0x1  }
0x3e: {  	v3 =	vadd.s32 v1, v3;
	_ =	sdelay $0x4  }
0x3f: {  	[tilespmem:s17], [sflag:$0x1] =	stream.indirect_vreg.gather [hbm4b:s2+s3], $0x80, v3, vm0, $0xb8;
	[tilespmem:$0xB480] =	vst v63  }
0x40: {  	_ = 	snop  }
0x41: {  	[tilespmem:s18], [sflag:$0x1] =	stream.indirect_vreg.gather [hbm4b:s5+s3], $0x80, v3, vm0, $0xb8;
	[tilespmem:$0xB480] =	vst v63  }
0x42: {  	_ =	swait.ge [sflag:s19], $0x5000  }
0x43: {  	[sflag:s19] =	ssyncset.done $0x0  }
0x44: {  	s0 =	rddreg [dreg:$0x6];
	[sflag:s19] =	ssyncadd.s32 $0xFFFFB000  }
0x45: {  	[hbm4b:s0+s3] =	stream.linear.scatter [tilespmem:s9], [sflag:$0x2], $0x5000, $0x38;
	[tilespmem:$0xB480] =	vst v63  }
0x46: {  	_ =	swait.ge [sflag:s8], $0x5000  }
0x47: {  	[sflag:s8] =	ssyncset.done $0x0  }
0x48: {  	[sflag:s8] =	ssyncadd.s32 $0xFFFFB000  }
0x49: {  	v3 =	vld [tilespmem:$0x0];
	_ =	sdelay $0x4  }
0x4a: {  	v61 =	vshll.u32 v3, $0x2  }
0x4b: {  	v3 =	vand.u32 $0x7, v3;
	v4 =	vand.u32 $0xFFFFFFE0, v61  }
0x4c: {  	v3 =	vor.u32 v3, v4  }
0x4d: {  	v4 =	vperm.xlane v3, v0;
	_ =	sdelay $0x1  }
0x4e: {  	v4 =	vadd.s32 v1, v4;
	_ =	sdelay $0x1  }
0x4f: {  	v3 =	vperm.xlane v3, v2;
	_ =	sdelay $0x1  }
0x50: {  	v3 =	vadd.s32 v1, v3  }
0x51: {  	[tilespmem:s20], [sflag:$0x1] =	stream.indirect_vreg.gather [hbm4b:s4+s3], $0x80, v4, vm0, $0xb8;
	[tilespmem:$0xB480] =	vst v63  }
0x52: {  	_ = 	snop  }
0x53: {  	[tilespmem:s21], [sflag:$0x1] =	stream.indirect_vreg.gather [hbm4b:s6+s3], $0x80, v4, vm0, $0xb8;
	[tilespmem:$0xB480] =	vst v63  }
0x54: {  	_ = 	snop  }
0x55: {  	[tilespmem:s22], [sflag:$0x1] =	stream.indirect_vreg.gather [hbm4b:s4+s3], $0x80, v3, vm0, $0xb8;
	[tilespmem:$0xB480] =	vst v63  }
0x56: {  	_ = 	snop  }
0x57: {  	[tilespmem:s23], [sflag:$0x1] =	stream.indirect_vreg.gather [hbm4b:s6+s3], $0x80, v3, vm0, $0xb8;
	[tilespmem:$0xB480] =	vst v63  }
0x58: {  	v3 =	vld [tilespmem:$0x10];
	_ =	sdelay $0x4  }
0x59: {  	v62 =	vshll.u32 v3, $0x2  }
0x5a: {  	v3 =	vand.u32 $0x7, v3;
	v4 =	vand.u32 $0xFFFFFFE0, v62  }
0x5b: {  	v3 =	vor.u32 v3, v4  }
0x5c: {  	v4 =	vperm.xlane v3, v0;
	_ =	sdelay $0x1  }
0x5d: {  	v4 =	vadd.s32 v1, v4;
	_ =	sdelay $0x1  }
0x5e: {  	v3 =	vperm.xlane v3, v2;
	_ =	sdelay $0x1  }
0x5f: {  	v3 =	vadd.s32 v1, v3  }
0x60: {  	[tilespmem:s24], [sflag:$0x1] =	stream.indirect_vreg.gather [hbm4b:s4+s3], $0x80, v4, vm0, $0xb8;
	[tilespmem:$0xB480] =	vst v63  }
0x61: {  	_ = 	snop  }
0x62: {  	[tilespmem:s25], [sflag:$0x1] =	stream.indirect_vreg.gather [hbm4b:s6+s3], $0x80, v4, vm0, $0xb8;
	[tilespmem:$0xB480] =	vst v63  }
0x63: {  	_ = 	snop  }
0x64: {  	[tilespmem:s26], [sflag:$0x1] =	stream.indirect_vreg.gather [hbm4b:s4+s3], $0x80, v3, vm0, $0xb8;
	[tilespmem:$0xB480] =	vst v63  }
0x65: {  	_ = 	snop  }
0x66: {  	[tilespmem:s28], [sflag:$0x1] =	stream.indirect_vreg.gather [hbm4b:s6+s3], $0x80, v3, vm0, $0xb8;
	[tilespmem:$0xB480] =	vst v63  }
0x67: {  	v3 =	vld.msk [tilespmem:$0x20], $0xff;
	_ =	sdelay $0x4  }
0x68: {  	v63 =	vshll.u32 v3, $0x2  }
0x69: {  	v3 =	vand.u32 $0x7, v3;
	v4 =	vand.u32 $0xFFFFFFE0, v63  }
0x6a: {  	v3 =	vor.u32 v3, v4  }
0x6b: {  	v3 =	vperm.xlane v3, v0;
	_ =	sdelay $0x1  }
0x6c: {  	v3 =	vadd.s32 v1, v3;
	_ =	sdelay $0x4  }
0x6d: {  	[tilespmem:s29], [sflag:$0x1] =	stream.indirect_vreg.gather [hbm4b:s4+s3], $0x80, v3, vm0, $0xb8;
	[tilespmem:$0xB480] =	vst v63  }
0x6e: {  	_ = 	snop  }
0x6f: {  	[tilespmem:s30], [sflag:$0x1] =	stream.indirect_vreg.gather [hbm4b:s6+s3], $0x80, v3, vm0, $0xb8;
	[tilespmem:$0xB480] =	vst v63  }
0x70: {  	_ =	swait.ge [sflag:s19], $0x5000  }
0x71: {  	[sflag:s19] =	ssyncset.done $0x0  }
0x72: {  	s0 =	rddreg [dreg:$0x7];
	[sflag:s19] =	ssyncadd.s32 $0xFFFFB000  }
0x73: {  	[hbm4b:s0+s3] =	stream.linear.scatter [tilespmem:s20], [sflag:$0x2], $0x5000, $0x38;
	[tilespmem:$0xB480] =	vst v63  }
0x74: {  	_ =	swait.ge [sflag:s8], $0x5000  }
0x75: {  	[sflag:s8] =	ssyncset.done $0x0  }
0x76: {  	s0 =	rddreg [dreg:$0x8];
	[sflag:s8] =	ssyncadd.s32 $0xFFFFB000  }
0x77: {  	[tilespmem:s3], [sflag:$0x2] =	stream.linear.gather [hbm4b:s0+s3], $0x28, $0x38;
	[tilespmem:$0xB480] =	vst v63  }
0x78: {  	_ =	swait.ge [sflag:s8], $0x28  }
0x79: {  	[sflag:s8] =	ssyncset.done $0x0  }
0x7a: {  	s0 =	rddreg [dreg:$0x4];
	[sflag:s8] =	ssyncadd.s32 $0xFFFFFFD8  }
0x7b: {  	[tilespmem:s1], [sflag:$0x1] =	stream.indirect.gather [hbm4b:s0+s31], $0x80, s3, s31, $0xb8;
	[tilespmem:$0xB480] =	vst v63  }
0x7c: {  	_ =	swait.ge [sflag:s19], $0x1400  }
0x7d: {  	p0 =	sne.s32 s7, $0x1;
	[sflag:s19] =	ssyncset.done $0x0  }
.Ltmp0:
0x7e: {  	s0 =	rddreg [dreg:$0x9];
	[sflag:s19] =	ssyncadd.s32 $0xFFFFEC00;
	(pc) =	sbr.rel @p0 .LBB2_1-.Ltmp0, $4  }
0x7f: {  	[hbm4b:s0+s3] =	stream.linear.scatter [tilespmem:s1], [sflag:$0x2], $0x1400, $0x38;
	[tilespmem:$0xB480] =	vst v63  }
0x80: {  	_ =	swait.ge [sflag:s8], $0x1400  }
0x81: {  	[sflag:s8] =	ssyncset.done $0x0  }
0x82: {  	s7 =	sadd.s32 $0xFFFFFFFF, s7;
	[sflag:s8] =	ssyncadd.s32 $0xFFFFEC00  }
0x83: {  	_ =	sfence.sel $0x180000  }
0x84: {  	[bflag:$0x0] =	sbarrier.arrive $0xFFFF  }
0x85: {  	_ =	strace $0x90000047  }
0x86: {  	s0 =	stileid.u32;
	[bflag:$0x2] =	sbarrier.arrive $0xFFFF  }
0x87: {  	p0 =	sne.s32 s0, $0x0;
	s0 =	rddreg [dreg:$0x3]  }
0x88: {  	s0 =	sadd.s32 @!p0 $0x100000, s0  }
0x89: {  	[sflag:s0] =	ssyncadd.tile.s32 @!p0 $0x1;
	_ =	shalt  }
.Lfunc_end2:
_tile_overlayer_lowered:
.L_overlay_start_2:
0x8a: {  	(tag) =	ssettag $0x2  }
0x8b: {  	s0 =	rddreg [dreg:$0x0];
	s2 =	stileid.u32  }
0x8c: {  	s1 =	rddreg [dreg:$0x1];
	p0 =	sne.s32 s2, $0x0  }
0x8d: {  	s3 =	rddreg [dreg:$0x2];
	[bflag:$0x3] =	sbarrier.arrive $0xFFFF;
	s2 =	simm.s32 @!p0 $0x1C02  }
0x8e: {  	[timem:s3], [sflag:s2] =	dma.local @!p0 [hbm:s0], s1  }
0x8f: {  	s0 =	simm.s32 @!p0 $0x2  }
0x90: {  	_ =	swait.ge @!p0 [sflag:s0], s1  }
0x91: {  	s1 =	ssub.s32 @!p0 $0x0, s1;
	[sflag:s0] =	ssyncset.done @!p0 $0x0  }
0x92: {  	[sflag:s0] =	ssyncadd.s32 @!p0 s1  }
0x93: {  	[bflag:$0x3] =	sbarrier.arrive $0xFFFF  }
0x94: {  	_ =	shalt  }

</sc_bundles>
